<compile_context>
chip_gen: v7x
topology: tpu7x:2x2x1
jax: 0.10.2.dev20260603
libtpu: 0.0.44.dev20260713+nightly
codegen_flags: <defaults>
</compile_context>

<pallas_src>
import functools

import jax
import jax.numpy as jnp
from jax import lax
from jax.experimental import pallas as pl
from jax.experimental.pallas import tpu as pltpu
from jax.experimental.pallas import tpu_sc as plsc

VOCAB = 1000000
HIDDEN = 64
BATCH = 4096
SEQ = 200

NC = 2
NS = 16
NW = NC * NS

TOTAL = BATCH * SEQ
PER_W = TOTAL // NW
IW = 128
CHUNK = 640
NSUB = CHUNK // IW
NCHUNK = PER_W // CHUNK
IDX_ROWS = PER_W // IW


def _gather_kernel(emb_hbm, x_hbm, out_hbm, idx_v, rows0, rows1, gsem0,
                   gsem1, osem0, osem1, xsem):
  wid = lax.axis_index("s") * NC + lax.axis_index("c")
  base = wid * PER_W

  head = 3 * NSUB
  pltpu.sync_copy(x_hbm.at[pl.ds(wid * IDX_ROWS, head)],
                  idx_v.at[pl.ds(0, head)])
  rest = pltpu.make_async_copy(
      x_hbm.at[pl.ds(wid * IDX_ROWS + head, IDX_ROWS - head)],
      idx_v.at[pl.ds(head, IDX_ROWS - head)], xsem)
  rest.start()

  rows = (rows0, rows1)
  gsems = (gsem0, gsem1)
  osems = (osem0, osem1)

  def out_copy(buf, c, sem):
    return pltpu.make_async_copy(
        buf, out_hbm.at[pl.ds(base + c * CHUNK, CHUNK), pl.ds(0, HIDDEN)],
        sem)

  def gathers(c, b):
    buf, gsem = rows[b], gsems[b]
    return [
        pltpu.make_async_copy(
            emb_hbm.at[idx_v.at[c * NSUB + j]],
            buf.at[pl.ds(j * IW, IW)], gsem)
        for j in range(NSUB)
    ]

  def do_chunk(c, b, first, last):
    nb = 1 - b
    if not last:
      if not first:
        out_copy(rows[nb], c - 1, osems[nb]).wait()
      for cp in gathers(c + 1, nb):
        cp.start()
    for cp in gathers(c, b):
      cp.wait()
    out_copy(rows[b], c, osems[b]).start()

  for cp in gathers(0, 0):
    cp.start()
  do_chunk(0, 0, True, False)
  rest.wait()
  do_chunk(1, 1, False, False)

  def body(i):
    do_chunk(2 * i, 0, False, False)
    @pl.when(i < NCHUNK // 2 - 1)
    def _():
      do_chunk(2 * i + 1, 1, False, False)
    @pl.when(i == NCHUNK // 2 - 1)
    def _():
      do_chunk(2 * i + 1, 1, False, True)

  pl.loop(1, NCHUNK // 2)(body)

  out_copy(rows[0], NCHUNK - 2, osems[0]).wait()
  out_copy(rows[1], NCHUNK - 1, osems[1]).wait()


@jax.jit
def kernel(x, emb):
  mesh = plsc.VectorSubcoreMesh(core_axis_name="c", subcore_axis_name="s")
  gather = functools.partial(
      pl.kernel,
      mesh=mesh,
      out_type=jax.ShapeDtypeStruct((TOTAL, 2 * HIDDEN), jnp.float32),
      scratch_types=[
          pltpu.VMEM((IDX_ROWS, IW), jnp.int32),
          pltpu.VMEM((CHUNK, HIDDEN), jnp.float32),
          pltpu.VMEM((CHUNK, HIDDEN), jnp.float32),
          pltpu.SemaphoreType.DMA,
          pltpu.SemaphoreType.DMA,
          pltpu.SemaphoreType.DMA,
          pltpu.SemaphoreType.DMA,
          pltpu.SemaphoreType.DMA,
      ],
      compiler_params=pltpu.CompilerParams(use_tc_tiling_on_sc=False),
  )(_gather_kernel)
  xf = x.reshape(TOTAL // IW, IW).astype(jnp.int32)
  out = gather(emb, xf)
  return out.reshape(BATCH, SEQ, 2 * HIDDEN)[:, :, :HIDDEN]

# --- scband reference (transcript-rebuilt; emitter-appended) ---
"""Pipeline reference for scband-dummy-transformer-11166914969780 (READ-ONLY COPY).

The authoritative reference and input builder live on the scoring server;
editing this copy changes nothing except your own understanding.
"""

import jax, jax.numpy as jnp
import numpy as np

VOCAB = 1000000
HIDDEN = 64
BATCH = 4096
SEQ = 200

def setup_inputs(seed: int = 0) -> dict:
    key = jax.random.key(seed)
    k1, k2 = jax.random.split(key)
    x = jax.random.randint(k1, (BATCH, SEQ), 0, VOCAB, dtype=jnp.int64 if jax.config.jax_enable_x64 else jnp.int32)
    emb = jax.random.normal(k2, (VOCAB, HIDDEN), dtype=jnp.float32)
    return {"x": x, "emb": emb}

def reference(x, emb):
    # Faithful translation of _DummyTransformer.forward with token ids:
    # returns self.emb(x) -> embedding lookup
    return jnp.take(emb, x, axis=0)

if __name__ == "__main__":
    import jax
    _d = setup_inputs()
    print(jax.jit(kernel)(*tuple(_d.values())))

</pallas_src>

<mosaic_0001>
#map = affine_map<(d0, d1) -> (0, 0)>
module attributes {stable_mosaic.version = 14 : i64} {
  func.func @_gather_kernel(%arg0: i32, %arg1: i32, %arg2: memref<1000000x64xf32, #tpu.memory_space<hbm>>, %arg3: memref<6400x128xi32, #tpu.memory_space<hbm>>, %arg4: memref<819200x128xf32, #tpu.memory_space<hbm>>, %arg5: memref<200x128xi32, #tpu.memory_space<vmem>>, %arg6: memref<640x64xf32, #tpu.memory_space<vmem>>, %arg7: memref<640x64xf32, #tpu.memory_space<vmem>>, %arg8: memref<!tpu.dma_semaphore, #tpu.memory_space<semaphore_mem>>, %arg9: memref<!tpu.dma_semaphore, #tpu.memory_space<semaphore_mem>>, %arg10: memref<!tpu.dma_semaphore, #tpu.memory_space<semaphore_mem>>, %arg11: memref<!tpu.dma_semaphore, #tpu.memory_space<semaphore_mem>>, %arg12: memref<!tpu.dma_semaphore, #tpu.memory_space<semaphore_mem>>) attributes {dimension_semantics = [#tpu.dimension_semantics<core_parallel>, #tpu.dimension_semantics<subcore_parallel>], iteration_bounds = array<i64: 2, 16>, scalar_prefetch = 0 : i64, scratch_operands = 8 : i64, tpu.core_type = #tpu.core_type<sc_vector_subcore>, window_params = [{transform_indices = #map}, {transform_indices = #map}, {transform_indices = #map}]} {
    %mul3A = arith.constant 2 : i32
    %mul3A_0 = arith.muli %arg1, %mul3A : i32
    %add3A = arith.addi %mul3A_0, %arg0 : i32
    %mul3A_1 = arith.constant 25600 : i32
    %mul3A_2 = arith.muli %add3A, %mul3A_1 : i32
    %mul3A_3 = arith.constant 200 : i32
    %mul3A_4 = arith.muli %add3A, %mul3A_3 : i32
    "tpu.region"() ({
      %run_scoped3A = tpu.sem_alloc : memref<!tpu.dma_semaphore, #tpu.memory_space<semaphore_mem>>
      %dma_start3A_311 = arith.constant 0 : i32
      %dma_start3A_312 = arith.constant 0 : i32
      %dma_start3A_313 = tpu.memref_slice %arg5[%dma_start3A_311, %dma_start3A_312] : memref<200x128xi32, #tpu.memory_space<vmem>> -> memref<15x128xi32, #tpu.memory_space<vmem>>
      %dma_start3A_314 = arith.constant 0 : i32
      %dma_start3A_315 = tpu.memref_slice %arg3[%mul3A_4, %dma_start3A_314] : memref<6400x128xi32, #tpu.memory_space<hbm>> -> memref<15x128xi32, #tpu.memory_space<hbm>>
      %dma_start3A_316 = arith.constant 0 : i32
      %dma_start3A_317 = arith.constant 0 : i32
      %dma_start3A_318 = tpu.memref_slice %arg5[%dma_start3A_316, %dma_start3A_317] : memref<200x128xi32, #tpu.memory_space<vmem>> -> memref<15x128xi32, #tpu.memory_space<vmem>>
      %dma_start3A_319 = arith.constant 0 : i32
      %dma_start3A_320 = tpu.memref_slice %arg3[%mul3A_4, %dma_start3A_319] : memref<6400x128xi32, #tpu.memory_space<hbm>> -> memref<15x128xi32, #tpu.memory_space<hbm>>
      tpu.enqueue_dma source(%dma_start3A_320 : memref<15x128xi32, #tpu.memory_space<hbm>>) target(%dma_start3A_318 : memref<15x128xi32, #tpu.memory_space<vmem>>) target_semaphore(%run_scoped3A : memref<!tpu.dma_semaphore, #tpu.memory_space<semaphore_mem>>)
      %dma_wait3A_321 = arith.constant 0 : i32
      %dma_wait3A_322 = arith.constant 0 : i32
      %dma_wait3A_323 = tpu.memref_slice %arg5[%dma_wait3A_321, %dma_wait3A_322] : memref<200x128xi32, #tpu.memory_space<vmem>> -> memref<15x128xi32, #tpu.memory_space<vmem>>
      %dma_wait3A_324 = arith.constant 0 : i32
      %dma_wait3A_325 = tpu.memref_slice %arg3[%mul3A_4, %dma_wait3A_324] : memref<6400x128xi32, #tpu.memory_space<hbm>> -> memref<15x128xi32, #tpu.memory_space<hbm>>
      %dma_wait3A_326 = arith.constant 0 : i32
      %dma_wait3A_327 = arith.constant 0 : i32
      %dma_wait3A_328 = tpu.memref_slice %arg5[%dma_wait3A_326, %dma_wait3A_327] : memref<200x128xi32, #tpu.memory_space<vmem>> -> memref<15x128xi32, #tpu.memory_space<vmem>>
      %dma_wait3A_329 = arith.constant 0 : i32
      %dma_wait3A_330 = tpu.memref_slice %arg3[%mul3A_4, %dma_wait3A_329] : memref<6400x128xi32, #tpu.memory_space<hbm>> -> memref<15x128xi32, #tpu.memory_space<hbm>>
      tpu.wait_dma2 semaphore(%run_scoped3A : memref<!tpu.dma_semaphore, #tpu.memory_space<semaphore_mem>>) src(%dma_wait3A_330 : memref<15x128xi32, #tpu.memory_space<hbm>>) dst(%dma_wait3A_328 : memref<15x128xi32, #tpu.memory_space<vmem>>)
      tpu.yield
    }) : () -> ()
    %mul3A_5 = arith.constant 200 : i32
    %mul3A_6 = arith.muli %add3A, %mul3A_5 : i32
    %add3A_7 = arith.constant 15 : i32
    %add3A_8 = arith.addi %mul3A_6, %add3A_7 : i32
    %dma_start3A = arith.constant 15 : i32
    %dma_start3A_9 = arith.constant 0 : i32
    %dma_start3A_10 = tpu.memref_slice %arg5[%dma_start3A, %dma_start3A_9] : memref<200x128xi32, #tpu.memory_space<vmem>> -> memref<185x128xi32, #tpu.memory_space<vmem>>
    %dma_start3A_11 = arith.constant 0 : i32
    %dma_start3A_12 = tpu.memref_slice %arg3[%add3A_8, %dma_start3A_11] : memref<6400x128xi32, #tpu.memory_space<hbm>> -> memref<185x128xi32, #tpu.memory_space<hbm>>
    %dma_start3A_13 = arith.constant 15 : i32
    %dma_start3A_14 = arith.constant 0 : i32
    %dma_start3A_15 = tpu.memref_slice %arg5[%dma_start3A_13, %dma_start3A_14] : memref<200x128xi32, #tpu.memory_space<vmem>> -> memref<185x128xi32, #tpu.memory_space<vmem>>
    %dma_start3A_16 = arith.constant 0 : i32
    %dma_start3A_17 = tpu.memref_slice %arg3[%add3A_8, %dma_start3A_16] : memref<6400x128xi32, #tpu.memory_space<hbm>> -> memref<185x128xi32, #tpu.memory_space<hbm>>
    tpu.enqueue_dma source(%dma_start3A_17 : memref<185x128xi32, #tpu.memory_space<hbm>>) target(%dma_start3A_15 : memref<185x128xi32, #tpu.memory_space<vmem>>) target_semaphore(%arg12 : memref<!tpu.dma_semaphore, #tpu.memory_space<semaphore_mem>>)
    %dma_start3A_18 = arith.constant 0 : i32
    %dma_start3A_19 = arith.constant 0 : i32
    %dma_start3A_20 = arith.constant 0 : i32
    %dma_start3A_21 = tpu.memref_slice %arg6[%dma_start3A_19, %dma_start3A_20] : memref<640x64xf32, #tpu.memory_space<vmem>> -> memref<128x64xf32, #tpu.memory_space<vmem>>
    %dma_start3A_22 = arith.constant 0 : i32
    %dma_start3A_23 = tpu.memref_slice %arg5[%dma_start3A_18, %dma_start3A_22] : memref<200x128xi32, #tpu.memory_space<vmem>> -> memref<1x128xi32, #tpu.memory_space<vmem>>
    %dma_start3A_24 = tpu.memref_squeeze %dma_start3A_23 : memref<1x128xi32, #tpu.memory_space<vmem>> -> memref<128xi32, #tpu.memory_space<vmem>>
    %dma_start3A_25 = arith.constant 0 : i32
    %dma_start3A_26 = arith.constant 0 : i32
    %dma_start3A_27 = tpu.memref_slice %arg2[%dma_start3A_25, %dma_start3A_26] : memref<1000000x64xf32, #tpu.memory_space<hbm>> -> memref<1000000x64xf32, #tpu.memory_space<hbm>>
    tpu.enqueue_indirect_dma source(%dma_start3A_27 : memref<1000000x64xf32, #tpu.memory_space<hbm>>) target(%dma_start3A_21 : memref<128x64xf32, #tpu.memory_space<vmem>>) offsets(%dma_start3A_24 : memref<128xi32, #tpu.memory_space<vmem>>) semaphore(%arg8 : memref<!tpu.dma_semaphore, #tpu.memory_space<semaphore_mem>>)
    %dma_start3A_28 = arith.constant 1 : i32
    %dma_start3A_29 = arith.constant 128 : i32
    %dma_start3A_30 = arith.constant 0 : i32
    %dma_start3A_31 = tpu.memref_slice %arg6[%dma_start3A_29, %dma_start3A_30] : memref<640x64xf32, #tpu.memory_space<vmem>> -> memref<128x64xf32, #tpu.memory_space<vmem>>
    %dma_start3A_32 = arith.constant 0 : i32
    %dma_start3A_33 = tpu.memref_slice %arg5[%dma_start3A_28, %dma_start3A_32] : memref<200x128xi32, #tpu.memory_space<vmem>> -> memref<1x128xi32, #tpu.memory_space<vmem>>
    %dma_start3A_34 = tpu.memref_squeeze %dma_start3A_33 : memref<1x128xi32, #tpu.memory_space<vmem>> -> memref<128xi32, #tpu.memory_space<vmem>>
    %dma_start3A_35 = arith.constant 0 : i32
    %dma_start3A_36 = arith.constant 0 : i32
    %dma_start3A_37 = tpu.memref_slice %arg2[%dma_start3A_35, %dma_start3A_36] : memref<1000000x64xf32, #tpu.memory_space<hbm>> -> memref<1000000x64xf32, #tpu.memory_space<hbm>>
    tpu.enqueue_indirect_dma source(%dma_start3A_37 : memref<1000000x64xf32, #tpu.memory_space<hbm>>) target(%dma_start3A_31 : memref<128x64xf32, #tpu.memory_space<vmem>>) offsets(%dma_start3A_34 : memref<128xi32, #tpu.memory_space<vmem>>) semaphore(%arg8 : memref<!tpu.dma_semaphore, #tpu.memory_space<semaphore_mem>>)
    %dma_start3A_38 = arith.constant 2 : i32
    %dma_start3A_39 = arith.constant 256 : i32
    %dma_start3A_40 = arith.constant 0 : i32
    %dma_start3A_41 = tpu.memref_slice %arg6[%dma_start3A_39, %dma_start3A_40] : memref<640x64xf32, #tpu.memory_space<vmem>> -> memref<128x64xf32, #tpu.memory_space<vmem>>
    %dma_start3A_42 = arith.constant 0 : i32
    %dma_start3A_43 = tpu.memref_slice %arg5[%dma_start3A_38, %dma_start3A_42] : memref<200x128xi32, #tpu.memory_space<vmem>> -> memref<1x128xi32, #tpu.memory_space<vmem>>
    %dma_start3A_44 = tpu.memref_squeeze %dma_start3A_43 : memref<1x128xi32, #tpu.memory_space<vmem>> -> memref<128xi32, #tpu.memory_space<vmem>>
    %dma_start3A_45 = arith.constant 0 : i32
    %dma_start3A_46 = arith.constant 0 : i32
    %dma_start3A_47 = tpu.memref_slice %arg2[%dma_start3A_45, %dma_start3A_46] : memref<1000000x64xf32, #tpu.memory_space<hbm>> -> memref<1000000x64xf32, #tpu.memory_space<hbm>>
    tpu.enqueue_indirect_dma source(%dma_start3A_47 : memref<1000000x64xf32, #tpu.memory_space<hbm>>) target(%dma_start3A_41 : memref<128x64xf32, #tpu.memory_space<vmem>>) offsets(%dma_start3A_44 : memref<128xi32, #tpu.memory_space<vmem>>) semaphore(%arg8 : memref<!tpu.dma_semaphore, #tpu.memory_space<semaphore_mem>>)
    %dma_start3A_48 = arith.constant 3 : i32
    %dma_start3A_49 = arith.constant 384 : i32
    %dma_start3A_50 = arith.constant 0 : i32
    %dma_start3A_51 = tpu.memref_slice %arg6[%dma_start3A_49, %dma_start3A_50] : memref<640x64xf32, #tpu.memory_space<vmem>> -> memref<128x64xf32, #tpu.memory_space<vmem>>
    %dma_start3A_52 = arith.constant 0 : i32
    %dma_start3A_53 = tpu.memref_slice %arg5[%dma_start3A_48, %dma_start3A_52] : memref<200x128xi32, #tpu.memory_space<vmem>> -> memref<1x128xi32, #tpu.memory_space<vmem>>
    %dma_start3A_54 = tpu.memref_squeeze %dma_start3A_53 : memref<1x128xi32, #tpu.memory_space<vmem>> -> memref<128xi32, #tpu.memory_space<vmem>>
    %dma_start3A_55 = arith.constant 0 : i32
    %dma_start3A_56 = arith.constant 0 : i32
    %dma_start3A_57 = tpu.memref_slice %arg2[%dma_start3A_55, %dma_start3A_56] : memref<1000000x64xf32, #tpu.memory_space<hbm>> -> memref<1000000x64xf32, #tpu.memory_space<hbm>>
    tpu.enqueue_indirect_dma source(%dma_start3A_57 : memref<1000000x64xf32, #tpu.memory_space<hbm>>) target(%dma_start3A_51 : memref<128x64xf32, #tpu.memory_space<vmem>>) offsets(%dma_start3A_54 : memref<128xi32, #tpu.memory_space<vmem>>) semaphore(%arg8 : memref<!tpu.dma_semaphore, #tpu.memory_space<semaphore_mem>>)
    %dma_start3A_58 = arith.constant 4 : i32
    %dma_start3A_59 = arith.constant 512 : i32
    %dma_start3A_60 = arith.constant 0 : i32
    %dma_start3A_61 = tpu.memref_slice %arg6[%dma_start3A_59, %dma_start3A_60] : memref<640x64xf32, #tpu.memory_space<vmem>> -> memref<128x64xf32, #tpu.memory_space<vmem>>
    %dma_start3A_62 = arith.constant 0 : i32
    %dma_start3A_63 = tpu.memref_slice %arg5[%dma_start3A_58, %dma_start3A_62] : memref<200x128xi32, #tpu.memory_space<vmem>> -> memref<1x128xi32, #tpu.memory_space<vmem>>
    %dma_start3A_64 = tpu.memref_squeeze %dma_start3A_63 : memref<1x128xi32, #tpu.memory_space<vmem>> -> memref<128xi32, #tpu.memory_space<vmem>>
    %dma_start3A_65 = arith.constant 0 : i32
    %dma_start3A_66 = arith.constant 0 : i32
    %dma_start3A_67 = tpu.memref_slice %arg2[%dma_start3A_65, %dma_start3A_66] : memref<1000000x64xf32, #tpu.memory_space<hbm>> -> memref<1000000x64xf32, #tpu.memory_space<hbm>>
    tpu.enqueue_indirect_dma source(%dma_start3A_67 : memref<1000000x64xf32, #tpu.memory_space<hbm>>) target(%dma_start3A_61 : memref<128x64xf32, #tpu.memory_space<vmem>>) offsets(%dma_start3A_64 : memref<128xi32, #tpu.memory_space<vmem>>) semaphore(%arg8 : memref<!tpu.dma_semaphore, #tpu.memory_space<semaphore_mem>>)
    %dma_start3A_68 = arith.constant 5 : i32
    %dma_start3A_69 = arith.constant 0 : i32
    %dma_start3A_70 = arith.constant 0 : i32
    %dma_start3A_71 = tpu.memref_slice %arg7[%dma_start3A_69, %dma_start3A_70] : memref<640x64xf32, #tpu.memory_space<vmem>> -> memref<128x64xf32, #tpu.memory_space<vmem>>
    %dma_start3A_72 = arith.constant 0 : i32
    %dma_start3A_73 = tpu.memref_slice %arg5[%dma_start3A_68, %dma_start3A_72] : memref<200x128xi32, #tpu.memory_space<vmem>> -> memref<1x128xi32, #tpu.memory_space<vmem>>
    %dma_start3A_74 = tpu.memref_squeeze %dma_start3A_73 : memref<1x128xi32, #tpu.memory_space<vmem>> -> memref<128xi32, #tpu.memory_space<vmem>>
    %dma_start3A_75 = arith.constant 0 : i32
    %dma_start3A_76 = arith.constant 0 : i32
    %dma_start3A_77 = tpu.memref_slice %arg2[%dma_start3A_75, %dma_start3A_76] : memref<1000000x64xf32, #tpu.memory_space<hbm>> -> memref<1000000x64xf32, #tpu.memory_space<hbm>>
    tpu.enqueue_indirect_dma source(%dma_start3A_77 : memref<1000000x64xf32, #tpu.memory_space<hbm>>) target(%dma_start3A_71 : memref<128x64xf32, #tpu.memory_space<vmem>>) offsets(%dma_start3A_74 : memref<128xi32, #tpu.memory_space<vmem>>) semaphore(%arg9 : memref<!tpu.dma_semaphore, #tpu.memory_space<semaphore_mem>>)
    %dma_start3A_78 = arith.constant 6 : i32
    %dma_start3A_79 = arith.constant 128 : i32
    %dma_start3A_80 = arith.constant 0 : i32
    %dma_start3A_81 = tpu.memref_slice %arg7[%dma_start3A_79, %dma_start3A_80] : memref<640x64xf32, #tpu.memory_space<vmem>> -> memref<128x64xf32, #tpu.memory_space<vmem>>
    %dma_start3A_82 = arith.constant 0 : i32
    %dma_start3A_83 = tpu.memref_slice %arg5[%dma_start3A_78, %dma_start3A_82] : memref<200x128xi32, #tpu.memory_space<vmem>> -> memref<1x128xi32, #tpu.memory_space<vmem>>
    %dma_start3A_84 = tpu.memref_squeeze %dma_start3A_83 : memref<1x128xi32, #tpu.memory_space<vmem>> -> memref<128xi32, #tpu.memory_space<vmem>>
    %dma_start3A_85 = arith.constant 0 : i32
    %dma_start3A_86 = arith.constant 0 : i32
    %dma_start3A_87 = tpu.memref_slice %arg2[%dma_start3A_85, %dma_start3A_86] : memref<1000000x64xf32, #tpu.memory_space<hbm>> -> memref<1000000x64xf32, #tpu.memory_space<hbm>>
    tpu.enqueue_indirect_dma source(%dma_start3A_87 : memref<1000000x64xf32, #tpu.memory_space<hbm>>) target(%dma_start3A_81 : memref<128x64xf32, #tpu.memory_space<vmem>>) offsets(%dma_start3A_84 : memref<128xi32, #tpu.memory_space<vmem>>) semaphore(%arg9 : memref<!tpu.dma_semaphore, #tpu.memory_space<semaphore_mem>>)
    %dma_start3A_88 = arith.constant 7 : i32
    %dma_start3A_89 = arith.constant 256 : i32
    %dma_start3A_90 = arith.constant 0 : i32
    %dma_start3A_91 = tpu.memref_slice %arg7[%dma_start3A_89, %dma_start3A_90] : memref<640x64xf32, #tpu.memory_space<vmem>> -> memref<128x64xf32, #tpu.memory_space<vmem>>
    %dma_start3A_92 = arith.constant 0 : i32
    %dma_start3A_93 = tpu.memref_slice %arg5[%dma_start3A_88, %dma_start3A_92] : memref<200x128xi32, #tpu.memory_space<vmem>> -> memref<1x128xi32, #tpu.memory_space<vmem>>
    %dma_start3A_94 = tpu.memref_squeeze %dma_start3A_93 : memref<1x128xi32, #tpu.memory_space<vmem>> -> memref<128xi32, #tpu.memory_space<vmem>>
    %dma_start3A_95 = arith.constant 0 : i32
    %dma_start3A_96 = arith.constant 0 : i32
    %dma_start3A_97 = tpu.memref_slice %arg2[%dma_start3A_95, %dma_start3A_96] : memref<1000000x64xf32, #tpu.memory_space<hbm>> -> memref<1000000x64xf32, #tpu.memory_space<hbm>>
    tpu.enqueue_indirect_dma source(%dma_start3A_97 : memref<1000000x64xf32, #tpu.memory_space<hbm>>) target(%dma_start3A_91 : memref<128x64xf32, #tpu.memory_space<vmem>>) offsets(%dma_start3A_94 : memref<128xi32, #tpu.memory_space<vmem>>) semaphore(%arg9 : memref<!tpu.dma_semaphore, #tpu.memory_space<semaphore_mem>>)
    %dma_start3A_98 = arith.constant 8 : i32
    %dma_start3A_99 = arith.constant 384 : i32
    %dma_start3A_100 = arith.constant 0 : i32
    %dma_start3A_101 = tpu.memref_slice %arg7[%dma_start3A_99, %dma_start3A_100] : memref<640x64xf32, #tpu.memory_space<vmem>> -> memref<128x64xf32, #tpu.memory_space<vmem>>
    %dma_start3A_102 = arith.constant 0 : i32
    %dma_start3A_103 = tpu.memref_slice %arg5[%dma_start3A_98, %dma_start3A_102] : memref<200x128xi32, #tpu.memory_space<vmem>> -> memref<1x128xi32, #tpu.memory_space<vmem>>
    %dma_start3A_104 = tpu.memref_squeeze %dma_start3A_103 : memref<1x128xi32, #tpu.memory_space<vmem>> -> memref<128xi32, #tpu.memory_space<vmem>>
    %dma_start3A_105 = arith.constant 0 : i32
    %dma_start3A_106 = arith.constant 0 : i32
    %dma_start3A_107 = tpu.memref_slice %arg2[%dma_start3A_105, %dma_start3A_106] : memref<1000000x64xf32, #tpu.memory_space<hbm>> -> memref<1000000x64xf32, #tpu.memory_space<hbm>>
    tpu.enqueue_indirect_dma source(%dma_start3A_107 : memref<1000000x64xf32, #tpu.memory_space<hbm>>) target(%dma_start3A_101 : memref<128x64xf32, #tpu.memory_space<vmem>>) offsets(%dma_start3A_104 : memref<128xi32, #tpu.memory_space<vmem>>) semaphore(%arg9 : memref<!tpu.dma_semaphore, #tpu.memory_space<semaphore_mem>>)
    %dma_start3A_108 = arith.constant 9 : i32
    %dma_start3A_109 = arith.constant 512 : i32
    %dma_start3A_110 = arith.constant 0 : i32
    %dma_start3A_111 = tpu.memref_slice %arg7[%dma_start3A_109, %dma_start3A_110] : memref<640x64xf32, #tpu.memory_space<vmem>> -> memref<128x64xf32, #tpu.memory_space<vmem>>
    %dma_start3A_112 = arith.constant 0 : i32
    %dma_start3A_113 = tpu.memref_slice %arg5[%dma_start3A_108, %dma_start3A_112] : memref<200x128xi32, #tpu.memory_space<vmem>> -> memref<1x128xi32, #tpu.memory_space<vmem>>
    %dma_start3A_114 = tpu.memref_squeeze %dma_start3A_113 : memref<1x128xi32, #tpu.memory_space<vmem>> -> memref<128xi32, #tpu.memory_space<vmem>>
    %dma_start3A_115 = arith.constant 0 : i32
    %dma_start3A_116 = arith.constant 0 : i32
    %dma_start3A_117 = tpu.memref_slice %arg2[%dma_start3A_115, %dma_start3A_116] : memref<1000000x64xf32, #tpu.memory_space<hbm>> -> memref<1000000x64xf32, #tpu.memory_space<hbm>>
    tpu.enqueue_indirect_dma source(%dma_start3A_117 : memref<1000000x64xf32, #tpu.memory_space<hbm>>) target(%dma_start3A_111 : memref<128x64xf32, #tpu.memory_space<vmem>>) offsets(%dma_start3A_114 : memref<128xi32, #tpu.memory_space<vmem>>) semaphore(%arg9 : memref<!tpu.dma_semaphore, #tpu.memory_space<semaphore_mem>>)
    %dma_wait3A = arith.constant 0 : i32
    %dma_wait3A_118 = arith.constant 0 : i32
    %dma_wait3A_119 = arith.constant 0 : i32
    %dma_wait3A_120 = tpu.memref_slice %arg6[%dma_wait3A_118, %dma_wait3A_119] : memref<640x64xf32, #tpu.memory_space<vmem>> -> memref<128x64xf32, #tpu.memory_space<vmem>>
    %dma_wait3A_121 = arith.constant 0 : i32
    %dma_wait3A_122 = tpu.memref_slice %arg5[%dma_wait3A, %dma_wait3A_121] : memref<200x128xi32, #tpu.memory_space<vmem>> -> memref<1x128xi32, #tpu.memory_space<vmem>>
    %dma_wait3A_123 = tpu.memref_squeeze %dma_wait3A_122 : memref<1x128xi32, #tpu.memory_space<vmem>> -> memref<128xi32, #tpu.memory_space<vmem>>
    %dma_wait3A_124 = arith.constant 0 : i32
    %dma_wait3A_125 = arith.constant 0 : i32
    %dma_wait3A_126 = tpu.memref_slice %arg2[%dma_wait3A_124, %dma_wait3A_125] : memref<1000000x64xf32, #tpu.memory_space<hbm>> -> memref<1000000x64xf32, #tpu.memory_space<hbm>>
    tpu.wait_indirect_dma semaphore(%arg8 : memref<!tpu.dma_semaphore, #tpu.memory_space<semaphore_mem>>) src(%dma_wait3A_126 : memref<1000000x64xf32, #tpu.memory_space<hbm>>) dst(%dma_wait3A_120 : memref<128x64xf32, #tpu.memory_space<vmem>>)
    %dma_wait3A_127 = arith.constant 1 : i32
    %dma_wait3A_128 = arith.constant 128 : i32
    %dma_wait3A_129 = arith.constant 0 : i32
    %dma_wait3A_130 = tpu.memref_slice %arg6[%dma_wait3A_128, %dma_wait3A_129] : memref<640x64xf32, #tpu.memory_space<vmem>> -> memref<128x64xf32, #tpu.memory_space<vmem>>
    %dma_wait3A_131 = arith.constant 0 : i32
    %dma_wait3A_132 = tpu.memref_slice %arg5[%dma_wait3A_127, %dma_wait3A_131] : memref<200x128xi32, #tpu.memory_space<vmem>> -> memref<1x128xi32, #tpu.memory_space<vmem>>
    %dma_wait3A_133 = tpu.memref_squeeze %dma_wait3A_132 : memref<1x128xi32, #tpu.memory_space<vmem>> -> memref<128xi32, #tpu.memory_space<vmem>>
    %dma_wait3A_134 = arith.constant 0 : i32
    %dma_wait3A_135 = arith.constant 0 : i32
    %dma_wait3A_136 = tpu.memref_slice %arg2[%dma_wait3A_134, %dma_wait3A_135] : memref<1000000x64xf32, #tpu.memory_space<hbm>> -> memref<1000000x64xf32, #tpu.memory_space<hbm>>
    tpu.wait_indirect_dma semaphore(%arg8 : memref<!tpu.dma_semaphore, #tpu.memory_space<semaphore_mem>>) src(%dma_wait3A_136 : memref<1000000x64xf32, #tpu.memory_space<hbm>>) dst(%dma_wait3A_130 : memref<128x64xf32, #tpu.memory_space<vmem>>)
    %dma_wait3A_137 = arith.constant 2 : i32
    %dma_wait3A_138 = arith.constant 256 : i32
    %dma_wait3A_139 = arith.constant 0 : i32
    %dma_wait3A_140 = tpu.memref_slice %arg6[%dma_wait3A_138, %dma_wait3A_139] : memref<640x64xf32, #tpu.memory_space<vmem>> -> memref<128x64xf32, #tpu.memory_space<vmem>>
    %dma_wait3A_141 = arith.constant 0 : i32
    %dma_wait3A_142 = tpu.memref_slice %arg5[%dma_wait3A_137, %dma_wait3A_141] : memref<200x128xi32, #tpu.memory_space<vmem>> -> memref<1x128xi32, #tpu.memory_space<vmem>>
    %dma_wait3A_143 = tpu.memref_squeeze %dma_wait3A_142 : memref<1x128xi32, #tpu.memory_space<vmem>> -> memref<128xi32, #tpu.memory_space<vmem>>
    %dma_wait3A_144 = arith.constant 0 : i32
    %dma_wait3A_145 = arith.constant 0 : i32
    %dma_wait3A_146 = tpu.memref_slice %arg2[%dma_wait3A_144, %dma_wait3A_145] : memref<1000000x64xf32, #tpu.memory_space<hbm>> -> memref<1000000x64xf32, #tpu.memory_space<hbm>>
    tpu.wait_indirect_dma semaphore(%arg8 : memref<!tpu.dma_semaphore, #tpu.memory_space<semaphore_mem>>) src(%dma_wait3A_146 : memref<1000000x64xf32, #tpu.memory_space<hbm>>) dst(%dma_wait3A_140 : memref<128x64xf32, #tpu.memory_space<vmem>>)
    %dma_wait3A_147 = arith.constant 3 : i32
    %dma_wait3A_148 = arith.constant 384 : i32
    %dma_wait3A_149 = arith.constant 0 : i32
    %dma_wait3A_150 = tpu.memref_slice %arg6[%dma_wait3A_148, %dma_wait3A_149] : memref<640x64xf32, #tpu.memory_space<vmem>> -> memref<128x64xf32, #tpu.memory_space<vmem>>
    %dma_wait3A_151 = arith.constant 0 : i32
    %dma_wait3A_152 = tpu.memref_slice %arg5[%dma_wait3A_147, %dma_wait3A_151] : memref<200x128xi32, #tpu.memory_space<vmem>> -> memref<1x128xi32, #tpu.memory_space<vmem>>
    %dma_wait3A_153 = tpu.memref_squeeze %dma_wait3A_152 : memref<1x128xi32, #tpu.memory_space<vmem>> -> memref<128xi32, #tpu.memory_space<vmem>>
    %dma_wait3A_154 = arith.constant 0 : i32
    %dma_wait3A_155 = arith.constant 0 : i32
    %dma_wait3A_156 = tpu.memref_slice %arg2[%dma_wait3A_154, %dma_wait3A_155] : memref<1000000x64xf32, #tpu.memory_space<hbm>> -> memref<1000000x64xf32, #tpu.memory_space<hbm>>
    tpu.wait_indirect_dma semaphore(%arg8 : memref<!tpu.dma_semaphore, #tpu.memory_space<semaphore_mem>>) src(%dma_wait3A_156 : memref<1000000x64xf32, #tpu.memory_space<hbm>>) dst(%dma_wait3A_150 : memref<128x64xf32, #tpu.memory_space<vmem>>)
    %dma_wait3A_157 = arith.constant 4 : i32
    %dma_wait3A_158 = arith.constant 512 : i32
    %dma_wait3A_159 = arith.constant 0 : i32
    %dma_wait3A_160 = tpu.memref_slice %arg6[%dma_wait3A_158, %dma_wait3A_159] : memref<640x64xf32, #tpu.memory_space<vmem>> -> memref<128x64xf32, #tpu.memory_space<vmem>>
    %dma_wait3A_161 = arith.constant 0 : i32
    %dma_wait3A_162 = tpu.memref_slice %arg5[%dma_wait3A_157, %dma_wait3A_161] : memref<200x128xi32, #tpu.memory_space<vmem>> -> memref<1x128xi32, #tpu.memory_space<vmem>>
    %dma_wait3A_163 = tpu.memref_squeeze %dma_wait3A_162 : memref<1x128xi32, #tpu.memory_space<vmem>> -> memref<128xi32, #tpu.memory_space<vmem>>
    %dma_wait3A_164 = arith.constant 0 : i32
    %dma_wait3A_165 = arith.constant 0 : i32
    %dma_wait3A_166 = tpu.memref_slice %arg2[%dma_wait3A_164, %dma_wait3A_165] : memref<1000000x64xf32, #tpu.memory_space<hbm>> -> memref<1000000x64xf32, #tpu.memory_space<hbm>>
    tpu.wait_indirect_dma semaphore(%arg8 : memref<!tpu.dma_semaphore, #tpu.memory_space<semaphore_mem>>) src(%dma_wait3A_166 : memref<1000000x64xf32, #tpu.memory_space<hbm>>) dst(%dma_wait3A_160 : memref<128x64xf32, #tpu.memory_space<vmem>>)
    %add3A_167 = arith.constant 0 : i32
    %add3A_168 = arith.addi %mul3A_2, %add3A_167 : i32
    %dma_start3A_169 = arith.constant 0 : i32
    %dma_start3A_170 = tpu.memref_slice %arg4[%add3A_168, %dma_start3A_169] : memref<819200x128xf32, #tpu.memory_space<hbm>> -> memref<640x64xf32, #tpu.memory_space<hbm>>
    %dma_start3A_171 = arith.constant 0 : i32
    %dma_start3A_172 = tpu.memref_slice %arg4[%add3A_168, %dma_start3A_171] : memref<819200x128xf32, #tpu.memory_space<hbm>> -> memref<640x64xf32, #tpu.memory_space<hbm>>
    tpu.enqueue_dma source(%arg6 : memref<640x64xf32, #tpu.memory_space<vmem>>) target(%dma_start3A_172 : memref<640x64xf32, #tpu.memory_space<hbm>>) target_semaphore(%arg10 : memref<!tpu.dma_semaphore, #tpu.memory_space<semaphore_mem>>)
    %dma_wait3A_173 = arith.constant 15 : i32
    %dma_wait3A_174 = arith.constant 0 : i32
    %dma_wait3A_175 = tpu.memref_slice %arg5[%dma_wait3A_173, %dma_wait3A_174] : memref<200x128xi32, #tpu.memory_space<vmem>> -> memref<185x128xi32, #tpu.memory_space<vmem>>
    %dma_wait3A_176 = arith.constant 0 : i32
    %dma_wait3A_177 = tpu.memref_slice %arg3[%add3A_8, %dma_wait3A_176] : memref<6400x128xi32, #tpu.memory_space<hbm>> -> memref<185x128xi32, #tpu.memory_space<hbm>>
    %dma_wait3A_178 = arith.constant 15 : i32
    %dma_wait3A_179 = arith.constant 0 : i32
    %dma_wait3A_180 = tpu.memref_slice %arg5[%dma_wait3A_178, %dma_wait3A_179] : memref<200x128xi32, #tpu.memory_space<vmem>> -> memref<185x128xi32, #tpu.memory_space<vmem>>
    %dma_wait3A_181 = arith.constant 0 : i32
    %dma_wait3A_182 = tpu.memref_slice %arg3[%add3A_8, %dma_wait3A_181] : memref<6400x128xi32, #tpu.memory_space<hbm>> -> memref<185x128xi32, #tpu.memory_space<hbm>>
    tpu.wait_dma2 semaphore(%arg12 : memref<!tpu.dma_semaphore, #tpu.memory_space<semaphore_mem>>) src(%dma_wait3A_182 : memref<185x128xi32, #tpu.memory_space<hbm>>) dst(%dma_wait3A_180 : memref<185x128xi32, #tpu.memory_space<vmem>>)
    %add3A_183 = arith.constant 0 : i32
    %add3A_184 = arith.addi %mul3A_2, %add3A_183 : i32
    %dma_wait3A_185 = arith.constant 0 : i32
    %dma_wait3A_186 = tpu.memref_slice %arg4[%add3A_184, %dma_wait3A_185] : memref<819200x128xf32, #tpu.memory_space<hbm>> -> memref<640x64xf32, #tpu.memory_space<hbm>>
    %dma_wait3A_187 = arith.constant 0 : i32
    %dma_wait3A_188 = tpu.memref_slice %arg4[%add3A_184, %dma_wait3A_187] : memref<819200x128xf32, #tpu.memory_space<hbm>> -> memref<640x64xf32, #tpu.memory_space<hbm>>
    tpu.wait_dma2 semaphore(%arg10 : memref<!tpu.dma_semaphore, #tpu.memory_space<semaphore_mem>>) src(%arg6 : memref<640x64xf32, #tpu.memory_space<vmem>>) dst(%dma_wait3A_188 : memref<640x64xf32, #tpu.memory_space<hbm>>)
    %dma_start3A_189 = arith.constant 10 : i32
    %dma_start3A_190 = arith.constant 0 : i32
    %dma_start3A_191 = arith.constant 0 : i32
    %dma_start3A_192 = tpu.memref_slice %arg6[%dma_start3A_190, %dma_start3A_191] : memref<640x64xf32, #tpu.memory_space<vmem>> -> memref<128x64xf32, #tpu.memory_space<vmem>>
    %dma_start3A_193 = arith.constant 0 : i32
    %dma_start3A_194 = tpu.memref_slice %arg5[%dma_start3A_189, %dma_start3A_193] : memref<200x128xi32, #tpu.memory_space<vmem>> -> memref<1x128xi32, #tpu.memory_space<vmem>>
    %dma_start3A_195 = tpu.memref_squeeze %dma_start3A_194 : memref<1x128xi32, #tpu.memory_space<vmem>> -> memref<128xi32, #tpu.memory_space<vmem>>
    %dma_start3A_196 = arith.constant 0 : i32
    %dma_start3A_197 = arith.constant 0 : i32
    %dma_start3A_198 = tpu.memref_slice %arg2[%dma_start3A_196, %dma_start3A_197] : memref<1000000x64xf32, #tpu.memory_space<hbm>> -> memref<1000000x64xf32, #tpu.memory_space<hbm>>
    tpu.enqueue_indirect_dma source(%dma_start3A_198 : memref<1000000x64xf32, #tpu.memory_space<hbm>>) target(%dma_start3A_192 : memref<128x64xf32, #tpu.memory_space<vmem>>) offsets(%dma_start3A_195 : memref<128xi32, #tpu.memory_space<vmem>>) semaphore(%arg8 : memref<!tpu.dma_semaphore, #tpu.memory_space<semaphore_mem>>)
    %dma_start3A_199 = arith.constant 11 : i32
    %dma_start3A_200 = arith.constant 128 : i32
    %dma_start3A_201 = arith.constant 0 : i32
    %dma_start3A_202 = tpu.memref_slice %arg6[%dma_start3A_200, %dma_start3A_201] : memref<640x64xf32, #tpu.memory_space<vmem>> -> memref<128x64xf32, #tpu.memory_space<vmem>>
    %dma_start3A_203 = arith.constant 0 : i32
    %dma_start3A_204 = tpu.memref_slice %arg5[%dma_start3A_199, %dma_start3A_203] : memref<200x128xi32, #tpu.memory_space<vmem>> -> memref<1x128xi32, #tpu.memory_space<vmem>>
    %dma_start3A_205 = tpu.memref_squeeze %dma_start3A_204 : memref<1x128xi32, #tpu.memory_space<vmem>> -> memref<128xi32, #tpu.memory_space<vmem>>
    %dma_start3A_206 = arith.constant 0 : i32
    %dma_start3A_207 = arith.constant 0 : i32
    %dma_start3A_208 = tpu.memref_slice %arg2[%dma_start3A_206, %dma_start3A_207] : memref<1000000x64xf32, #tpu.memory_space<hbm>> -> memref<1000000x64xf32, #tpu.memory_space<hbm>>
    tpu.enqueue_indirect_dma source(%dma_start3A_208 : memref<1000000x64xf32, #tpu.memory_space<hbm>>) target(%dma_start3A_202 : memref<128x64xf32, #tpu.memory_space<vmem>>) offsets(%dma_start3A_205 : memref<128xi32, #tpu.memory_space<vmem>>) semaphore(%arg8 : memref<!tpu.dma_semaphore, #tpu.memory_space<semaphore_mem>>)
    %dma_start3A_209 = arith.constant 12 : i32
    %dma_start3A_210 = arith.constant 256 : i32
    %dma_start3A_211 = arith.constant 0 : i32
    %dma_start3A_212 = tpu.memref_slice %arg6[%dma_start3A_210, %dma_start3A_211] : memref<640x64xf32, #tpu.memory_space<vmem>> -> memref<128x64xf32, #tpu.memory_space<vmem>>
    %dma_start3A_213 = arith.constant 0 : i32
    %dma_start3A_214 = tpu.memref_slice %arg5[%dma_start3A_209, %dma_start3A_213] : memref<200x128xi32, #tpu.memory_space<vmem>> -> memref<1x128xi32, #tpu.memory_space<vmem>>
    %dma_start3A_215 = tpu.memref_squeeze %dma_start3A_214 : memref<1x128xi32, #tpu.memory_space<vmem>> -> memref<128xi32, #tpu.memory_space<vmem>>
    %dma_start3A_216 = arith.constant 0 : i32
    %dma_start3A_217 = arith.constant 0 : i32
    %dma_start3A_218 = tpu.memref_slice %arg2[%dma_start3A_216, %dma_start3A_217] : memref<1000000x64xf32, #tpu.memory_space<hbm>> -> memref<1000000x64xf32, #tpu.memory_space<hbm>>
    tpu.enqueue_indirect_dma source(%dma_start3A_218 : memref<1000000x64xf32, #tpu.memory_space<hbm>>) target(%dma_start3A_212 : memref<128x64xf32, #tpu.memory_space<vmem>>) offsets(%dma_start3A_215 : memref<128xi32, #tpu.memory_space<vmem>>) semaphore(%arg8 : memref<!tpu.dma_semaphore, #tpu.memory_space<semaphore_mem>>)
    %dma_start3A_219 = arith.constant 13 : i32
    %dma_start3A_220 = arith.constant 384 : i32
    %dma_start3A_221 = arith.constant 0 : i32
    %dma_start3A_222 = tpu.memref_slice %arg6[%dma_start3A_220, %dma_start3A_221] : memref<640x64xf32, #tpu.memory_space<vmem>> -> memref<128x64xf32, #tpu.memory_space<vmem>>
    %dma_start3A_223 = arith.constant 0 : i32
    %dma_start3A_224 = tpu.memref_slice %arg5[%dma_start3A_219, %dma_start3A_223] : memref<200x128xi32, #tpu.memory_space<vmem>> -> memref<1x128xi32, #tpu.memory_space<vmem>>
    %dma_start3A_225 = tpu.memref_squeeze %dma_start3A_224 : memref<1x128xi32, #tpu.memory_space<vmem>> -> memref<128xi32, #tpu.memory_space<vmem>>
    %dma_start3A_226 = arith.constant 0 : i32
    %dma_start3A_227 = arith.constant 0 : i32
    %dma_start3A_228 = tpu.memref_slice %arg2[%dma_start3A_226, %dma_start3A_227] : memref<1000000x64xf32, #tpu.memory_space<hbm>> -> memref<1000000x64xf32, #tpu.memory_space<hbm>>
    tpu.enqueue_indirect_dma source(%dma_start3A_228 : memref<1000000x64xf32, #tpu.memory_space<hbm>>) target(%dma_start3A_222 : memref<128x64xf32, #tpu.memory_space<vmem>>) offsets(%dma_start3A_225 : memref<128xi32, #tpu.memory_space<vmem>>) semaphore(%arg8 : memref<!tpu.dma_semaphore, #tpu.memory_space<semaphore_mem>>)
    %dma_start3A_229 = arith.constant 14 : i32
    %dma_start3A_230 = arith.constant 512 : i32
    %dma_start3A_231 = arith.constant 0 : i32
    %dma_start3A_232 = tpu.memref_slice %arg6[%dma_start3A_230, %dma_start3A_231] : memref<640x64xf32, #tpu.memory_space<vmem>> -> memref<128x64xf32, #tpu.memory_space<vmem>>
    %dma_start3A_233 = arith.constant 0 : i32
    %dma_start3A_234 = tpu.memref_slice %arg5[%dma_start3A_229, %dma_start3A_233] : memref<200x128xi32, #tpu.memory_space<vmem>> -> memref<1x128xi32, #tpu.memory_space<vmem>>
    %dma_start3A_235 = tpu.memref_squeeze %dma_start3A_234 : memref<1x128xi32, #tpu.memory_space<vmem>> -> memref<128xi32, #tpu.memory_space<vmem>>
    %dma_start3A_236 = arith.constant 0 : i32
    %dma_start3A_237 = arith.constant 0 : i32
    %dma_start3A_238 = tpu.memref_slice %arg2[%dma_start3A_236, %dma_start3A_237] : memref<1000000x64xf32, #tpu.memory_space<hbm>> -> memref<1000000x64xf32, #tpu.memory_space<hbm>>
    tpu.enqueue_indirect_dma source(%dma_start3A_238 : memref<1000000x64xf32, #tpu.memory_space<hbm>>) target(%dma_start3A_232 : memref<128x64xf32, #tpu.memory_space<vmem>>) offsets(%dma_start3A_235 : memref<128xi32, #tpu.memory_space<vmem>>) semaphore(%arg8 : memref<!tpu.dma_semaphore, #tpu.memory_space<semaphore_mem>>)
    %dma_wait3A_239 = arith.constant 5 : i32
    %dma_wait3A_240 = arith.constant 0 : i32
    %dma_wait3A_241 = arith.constant 0 : i32
    %dma_wait3A_242 = tpu.memref_slice %arg7[%dma_wait3A_240, %dma_wait3A_241] : memref<640x64xf32, #tpu.memory_space<vmem>> -> memref<128x64xf32, #tpu.memory_space<vmem>>
    %dma_wait3A_243 = arith.constant 0 : i32
    %dma_wait3A_244 = tpu.memref_slice %arg5[%dma_wait3A_239, %dma_wait3A_243] : memref<200x128xi32, #tpu.memory_space<vmem>> -> memref<1x128xi32, #tpu.memory_space<vmem>>
    %dma_wait3A_245 = tpu.memref_squeeze %dma_wait3A_244 : memref<1x128xi32, #tpu.memory_space<vmem>> -> memref<128xi32, #tpu.memory_space<vmem>>
    %dma_wait3A_246 = arith.constant 0 : i32
    %dma_wait3A_247 = arith.constant 0 : i32
    %dma_wait3A_248 = tpu.memref_slice %arg2[%dma_wait3A_246, %dma_wait3A_247] : memref<1000000x64xf32, #tpu.memory_space<hbm>> -> memref<1000000x64xf32, #tpu.memory_space<hbm>>
    tpu.wait_indirect_dma semaphore(%arg9 : memref<!tpu.dma_semaphore, #tpu.memory_space<semaphore_mem>>) src(%dma_wait3A_248 : memref<1000000x64xf32, #tpu.memory_space<hbm>>) dst(%dma_wait3A_242 : memref<128x64xf32, #tpu.memory_space<vmem>>)
    %dma_wait3A_249 = arith.constant 6 : i32
    %dma_wait3A_250 = arith.constant 128 : i32
    %dma_wait3A_251 = arith.constant 0 : i32
    %dma_wait3A_252 = tpu.memref_slice %arg7[%dma_wait3A_250, %dma_wait3A_251] : memref<640x64xf32, #tpu.memory_space<vmem>> -> memref<128x64xf32, #tpu.memory_space<vmem>>
    %dma_wait3A_253 = arith.constant 0 : i32
    %dma_wait3A_254 = tpu.memref_slice %arg5[%dma_wait3A_249, %dma_wait3A_253] : memref<200x128xi32, #tpu.memory_space<vmem>> -> memref<1x128xi32, #tpu.memory_space<vmem>>
    %dma_wait3A_255 = tpu.memref_squeeze %dma_wait3A_254 : memref<1x128xi32, #tpu.memory_space<vmem>> -> memref<128xi32, #tpu.memory_space<vmem>>
    %dma_wait3A_256 = arith.constant 0 : i32
    %dma_wait3A_257 = arith.constant 0 : i32
    %dma_wait3A_258 = tpu.memref_slice %arg2[%dma_wait3A_256, %dma_wait3A_257] : memref<1000000x64xf32, #tpu.memory_space<hbm>> -> memref<1000000x64xf32, #tpu.memory_space<hbm>>
    tpu.wait_indirect_dma semaphore(%arg9 : memref<!tpu.dma_semaphore, #tpu.memory_space<semaphore_mem>>) src(%dma_wait3A_258 : memref<1000000x64xf32, #tpu.memory_space<hbm>>) dst(%dma_wait3A_252 : memref<128x64xf32, #tpu.memory_space<vmem>>)
    %dma_wait3A_259 = arith.constant 7 : i32
    %dma_wait3A_260 = arith.constant 256 : i32
    %dma_wait3A_261 = arith.constant 0 : i32
    %dma_wait3A_262 = tpu.memref_slice %arg7[%dma_wait3A_260, %dma_wait3A_261] : memref<640x64xf32, #tpu.memory_space<vmem>> -> memref<128x64xf32, #tpu.memory_space<vmem>>
    %dma_wait3A_263 = arith.constant 0 : i32
    %dma_wait3A_264 = tpu.memref_slice %arg5[%dma_wait3A_259, %dma_wait3A_263] : memref<200x128xi32, #tpu.memory_space<vmem>> -> memref<1x128xi32, #tpu.memory_space<vmem>>
    %dma_wait3A_265 = tpu.memref_squeeze %dma_wait3A_264 : memref<1x128xi32, #tpu.memory_space<vmem>> -> memref<128xi32, #tpu.memory_space<vmem>>
    %dma_wait3A_266 = arith.constant 0 : i32
    %dma_wait3A_267 = arith.constant 0 : i32
    %dma_wait3A_268 = tpu.memref_slice %arg2[%dma_wait3A_266, %dma_wait3A_267] : memref<1000000x64xf32, #tpu.memory_space<hbm>> -> memref<1000000x64xf32, #tpu.memory_space<hbm>>
    tpu.wait_indirect_dma semaphore(%arg9 : memref<!tpu.dma_semaphore, #tpu.memory_space<semaphore_mem>>) src(%dma_wait3A_268 : memref<1000000x64xf32, #tpu.memory_space<hbm>>) dst(%dma_wait3A_262 : memref<128x64xf32, #tpu.memory_space<vmem>>)
    %dma_wait3A_269 = arith.constant 8 : i32
    %dma_wait3A_270 = arith.constant 384 : i32
    %dma_wait3A_271 = arith.constant 0 : i32
    %dma_wait3A_272 = tpu.memref_slice %arg7[%dma_wait3A_270, %dma_wait3A_271] : memref<640x64xf32, #tpu.memory_space<vmem>> -> memref<128x64xf32, #tpu.memory_space<vmem>>
    %dma_wait3A_273 = arith.constant 0 : i32
    %dma_wait3A_274 = tpu.memref_slice %arg5[%dma_wait3A_269, %dma_wait3A_273] : memref<200x128xi32, #tpu.memory_space<vmem>> -> memref<1x128xi32, #tpu.memory_space<vmem>>
    %dma_wait3A_275 = tpu.memref_squeeze %dma_wait3A_274 : memref<1x128xi32, #tpu.memory_space<vmem>> -> memref<128xi32, #tpu.memory_space<vmem>>
    %dma_wait3A_276 = arith.constant 0 : i32
    %dma_wait3A_277 = arith.constant 0 : i32
    %dma_wait3A_278 = tpu.memref_slice %arg2[%dma_wait3A_276, %dma_wait3A_277] : memref<1000000x64xf32, #tpu.memory_space<hbm>> -> memref<1000000x64xf32, #tpu.memory_space<hbm>>
    tpu.wait_indirect_dma semaphore(%arg9 : memref<!tpu.dma_semaphore, #tpu.memory_space<semaphore_mem>>) src(%dma_wait3A_278 : memref<1000000x64xf32, #tpu.memory_space<hbm>>) dst(%dma_wait3A_272 : memref<128x64xf32, #tpu.memory_space<vmem>>)
    %dma_wait3A_279 = arith.constant 9 : i32
    %dma_wait3A_280 = arith.constant 512 : i32
    %dma_wait3A_281 = arith.constant 0 : i32
    %dma_wait3A_282 = tpu.memref_slice %arg7[%dma_wait3A_280, %dma_wait3A_281] : memref<640x64xf32, #tpu.memory_space<vmem>> -> memref<128x64xf32, #tpu.memory_space<vmem>>
    %dma_wait3A_283 = arith.constant 0 : i32
    %dma_wait3A_284 = tpu.memref_slice %arg5[%dma_wait3A_279, %dma_wait3A_283] : memref<200x128xi32, #tpu.memory_space<vmem>> -> memref<1x128xi32, #tpu.memory_space<vmem>>
    %dma_wait3A_285 = tpu.memref_squeeze %dma_wait3A_284 : memref<1x128xi32, #tpu.memory_space<vmem>> -> memref<128xi32, #tpu.memory_space<vmem>>
    %dma_wait3A_286 = arith.constant 0 : i32
    %dma_wait3A_287 = arith.constant 0 : i32
    %dma_wait3A_288 = tpu.memref_slice %arg2[%dma_wait3A_286, %dma_wait3A_287] : memref<1000000x64xf32, #tpu.memory_space<hbm>> -> memref<1000000x64xf32, #tpu.memory_space<hbm>>
    tpu.wait_indirect_dma semaphore(%arg9 : memref<!tpu.dma_semaphore, #tpu.memory_space<semaphore_mem>>) src(%dma_wait3A_288 : memref<1000000x64xf32, #tpu.memory_space<hbm>>) dst(%dma_wait3A_282 : memref<128x64xf32, #tpu.memory_space<vmem>>)
    %add3A_289 = arith.constant 640 : i32
    %add3A_290 = arith.addi %mul3A_2, %add3A_289 : i32
    %dma_start3A_291 = arith.constant 0 : i32
    %dma_start3A_292 = tpu.memref_slice %arg4[%add3A_290, %dma_start3A_291] : memref<819200x128xf32, #tpu.memory_space<hbm>> -> memref<640x64xf32, #tpu.memory_space<hbm>>
    %dma_start3A_293 = arith.constant 0 : i32
    %dma_start3A_294 = tpu.memref_slice %arg4[%add3A_290, %dma_start3A_293] : memref<819200x128xf32, #tpu.memory_space<hbm>> -> memref<640x64xf32, #tpu.memory_space<hbm>>
    tpu.enqueue_dma source(%arg7 : memref<640x64xf32, #tpu.memory_space<vmem>>) target(%dma_start3A_294 : memref<640x64xf32, #tpu.memory_space<hbm>>) target_semaphore(%arg11 : memref<!tpu.dma_semaphore, #tpu.memory_space<semaphore_mem>>)
    %scan3A = arith.constant 0 : i32
    %scan3A_295 = arith.constant 19 : i32
    %scan3A_296 = arith.addi %scan3A, %scan3A_295 : i32
    %scan3A_297 = arith.constant 1 : i32
    scf.for %scan3A_311 = %scan3A to %scan3A_296 step %scan3A_297  : i32 {
      %mul3A_312 = arith.constant 1 : i32
      %mul3A_313 = arith.muli %scan3A_311, %mul3A_312 : i32
      %add3A_314 = arith.constant 1 : i32
      %add3A_315 = arith.addi %add3A_314, %mul3A_313 : i32
      %mul3A_316 = arith.constant 2 : i32
      %mul3A_317 = arith.muli %mul3A_316, %add3A_315 : i32
      %sub3A = arith.constant 1 : i32
      %sub3A_318 = arith.subi %mul3A_317, %sub3A : i32
      %mul3A_319 = arith.constant 640 : i32
      %mul3A_320 = arith.muli %sub3A_318, %mul3A_319 : i32
      %add3A_321 = arith.addi %mul3A_2, %mul3A_320 : i32
      %dma_wait3A_322 = arith.constant 0 : i32
      %dma_wait3A_323 = tpu.memref_slice %arg4[%add3A_321, %dma_wait3A_322] : memref<819200x128xf32, #tpu.memory_space<hbm>> -> memref<640x64xf32, #tpu.memory_space<hbm>>
      %dma_wait3A_324 = arith.constant 0 : i32
      %dma_wait3A_325 = tpu.memref_slice %arg4[%add3A_321, %dma_wait3A_324] : memref<819200x128xf32, #tpu.memory_space<hbm>> -> memref<640x64xf32, #tpu.memory_space<hbm>>
      tpu.wait_dma2 semaphore(%arg11 : memref<!tpu.dma_semaphore, #tpu.memory_space<semaphore_mem>>) src(%arg7 : memref<640x64xf32, #tpu.memory_space<vmem>>) dst(%dma_wait3A_325 : memref<640x64xf32, #tpu.memory_space<hbm>>)
      %add3A_326 = arith.constant 1 : i32
      %add3A_327 = arith.addi %mul3A_317, %add3A_326 : i32
      %mul3A_328 = arith.constant 5 : i32
      %mul3A_329 = arith.muli %add3A_327, %mul3A_328 : i32
      %add3A_330 = arith.constant 0 : i32
      %add3A_331 = arith.addi %mul3A_329, %add3A_330 : i32
      %mul3A_332 = arith.constant 5 : i32
      %mul3A_333 = arith.muli %add3A_327, %mul3A_332 : i32
      %add3A_334 = arith.constant 1 : i32
      %add3A_335 = arith.addi %mul3A_333, %add3A_334 : i32
      %mul3A_336 = arith.constant 5 : i32
      %mul3A_337 = arith.muli %add3A_327, %mul3A_336 : i32
      %add3A_338 = arith.constant 2 : i32
      %add3A_339 = arith.addi %mul3A_337, %add3A_338 : i32
      %mul3A_340 = arith.constant 5 : i32
      %mul3A_341 = arith.muli %add3A_327, %mul3A_340 : i32
      %add3A_342 = arith.constant 3 : i32
      %add3A_343 = arith.addi %mul3A_341, %add3A_342 : i32
      %mul3A_344 = arith.constant 5 : i32
      %mul3A_345 = arith.muli %add3A_327, %mul3A_344 : i32
      %add3A_346 = arith.constant 4 : i32
      %add3A_347 = arith.addi %mul3A_345, %add3A_346 : i32
      %dma_start3A_348 = arith.constant 0 : i32
      %dma_start3A_349 = arith.constant 0 : i32
      %dma_start3A_350 = tpu.memref_slice %arg7[%dma_start3A_348, %dma_start3A_349] : memref<640x64xf32, #tpu.memory_space<vmem>> -> memref<128x64xf32, #tpu.memory_space<vmem>>
      %dma_start3A_351 = arith.constant 0 : i32
      %dma_start3A_352 = tpu.memref_slice %arg5[%add3A_331, %dma_start3A_351] : memref<200x128xi32, #tpu.memory_space<vmem>> -> memref<1x128xi32, #tpu.memory_space<vmem>>
      %dma_start3A_353 = tpu.memref_squeeze %dma_start3A_352 : memref<1x128xi32, #tpu.memory_space<vmem>> -> memref<128xi32, #tpu.memory_space<vmem>>
      %dma_start3A_354 = arith.constant 0 : i32
      %dma_start3A_355 = arith.constant 0 : i32
      %dma_start3A_356 = tpu.memref_slice %arg2[%dma_start3A_354, %dma_start3A_355] : memref<1000000x64xf32, #tpu.memory_space<hbm>> -> memref<1000000x64xf32, #tpu.memory_space<hbm>>
      tpu.enqueue_indirect_dma source(%dma_start3A_356 : memref<1000000x64xf32, #tpu.memory_space<hbm>>) target(%dma_start3A_350 : memref<128x64xf32, #tpu.memory_space<vmem>>) offsets(%dma_start3A_353 : memref<128xi32, #tpu.memory_space<vmem>>) semaphore(%arg9 : memref<!tpu.dma_semaphore, #tpu.memory_space<semaphore_mem>>)
      %dma_start3A_357 = arith.constant 128 : i32
      %dma_start3A_358 = arith.constant 0 : i32
      %dma_start3A_359 = tpu.memref_slice %arg7[%dma_start3A_357, %dma_start3A_358] : memref<640x64xf32, #tpu.memory_space<vmem>> -> memref<128x64xf32, #tpu.memory_space<vmem>>
      %dma_start3A_360 = arith.constant 0 : i32
      %dma_start3A_361 = tpu.memref_slice %arg5[%add3A_335, %dma_start3A_360] : memref<200x128xi32, #tpu.memory_space<vmem>> -> memref<1x128xi32, #tpu.memory_space<vmem>>
      %dma_start3A_362 = tpu.memref_squeeze %dma_start3A_361 : memref<1x128xi32, #tpu.memory_space<vmem>> -> memref<128xi32, #tpu.memory_space<vmem>>
      %dma_start3A_363 = arith.constant 0 : i32
      %dma_start3A_364 = arith.constant 0 : i32
      %dma_start3A_365 = tpu.memref_slice %arg2[%dma_start3A_363, %dma_start3A_364] : memref<1000000x64xf32, #tpu.memory_space<hbm>> -> memref<1000000x64xf32, #tpu.memory_space<hbm>>
      tpu.enqueue_indirect_dma source(%dma_start3A_365 : memref<1000000x64xf32, #tpu.memory_space<hbm>>) target(%dma_start3A_359 : memref<128x64xf32, #tpu.memory_space<vmem>>) offsets(%dma_start3A_362 : memref<128xi32, #tpu.memory_space<vmem>>) semaphore(%arg9 : memref<!tpu.dma_semaphore, #tpu.memory_space<semaphore_mem>>)
      %dma_start3A_366 = arith.constant 256 : i32
      %dma_start3A_367 = arith.constant 0 : i32
      %dma_start3A_368 = tpu.memref_slice %arg7[%dma_start3A_366, %dma_start3A_367] : memref<640x64xf32, #tpu.memory_space<vmem>> -> memref<128x64xf32, #tpu.memory_space<vmem>>
      %dma_start3A_369 = arith.constant 0 : i32
      %dma_start3A_370 = tpu.memref_slice %arg5[%add3A_339, %dma_start3A_369] : memref<200x128xi32, #tpu.memory_space<vmem>> -> memref<1x128xi32, #tpu.memory_space<vmem>>
      %dma_start3A_371 = tpu.memref_squeeze %dma_start3A_370 : memref<1x128xi32, #tpu.memory_space<vmem>> -> memref<128xi32, #tpu.memory_space<vmem>>
      %dma_start3A_372 = arith.constant 0 : i32
      %dma_start3A_373 = arith.constant 0 : i32
      %dma_start3A_374 = tpu.memref_slice %arg2[%dma_start3A_372, %dma_start3A_373] : memref<1000000x64xf32, #tpu.memory_space<hbm>> -> memref<1000000x64xf32, #tpu.memory_space<hbm>>
      tpu.enqueue_indirect_dma source(%dma_start3A_374 : memref<1000000x64xf32, #tpu.memory_space<hbm>>) target(%dma_start3A_368 : memref<128x64xf32, #tpu.memory_space<vmem>>) offsets(%dma_start3A_371 : memref<128xi32, #tpu.memory_space<vmem>>) semaphore(%arg9 : memref<!tpu.dma_semaphore, #tpu.memory_space<semaphore_mem>>)
      %dma_start3A_375 = arith.constant 384 : i32
      %dma_start3A_376 = arith.constant 0 : i32
      %dma_start3A_377 = tpu.memref_slice %arg7[%dma_start3A_375, %dma_start3A_376] : memref<640x64xf32, #tpu.memory_space<vmem>> -> memref<128x64xf32, #tpu.memory_space<vmem>>
      %dma_start3A_378 = arith.constant 0 : i32
      %dma_start3A_379 = tpu.memref_slice %arg5[%add3A_343, %dma_start3A_378] : memref<200x128xi32, #tpu.memory_space<vmem>> -> memref<1x128xi32, #tpu.memory_space<vmem>>
      %dma_start3A_380 = tpu.memref_squeeze %dma_start3A_379 : memref<1x128xi32, #tpu.memory_space<vmem>> -> memref<128xi32, #tpu.memory_space<vmem>>
      %dma_start3A_381 = arith.constant 0 : i32
      %dma_start3A_382 = arith.constant 0 : i32
      %dma_start3A_383 = tpu.memref_slice %arg2[%dma_start3A_381, %dma_start3A_382] : memref<1000000x64xf32, #tpu.memory_space<hbm>> -> memref<1000000x64xf32, #tpu.memory_space<hbm>>
      tpu.enqueue_indirect_dma source(%dma_start3A_383 : memref<1000000x64xf32, #tpu.memory_space<hbm>>) target(%dma_start3A_377 : memref<128x64xf32, #tpu.memory_space<vmem>>) offsets(%dma_start3A_380 : memref<128xi32, #tpu.memory_space<vmem>>) semaphore(%arg9 : memref<!tpu.dma_semaphore, #tpu.memory_space<semaphore_mem>>)
      %dma_start3A_384 = arith.constant 512 : i32
      %dma_start3A_385 = arith.constant 0 : i32
      %dma_start3A_386 = tpu.memref_slice %arg7[%dma_start3A_384, %dma_start3A_385] : memref<640x64xf32, #tpu.memory_space<vmem>> -> memref<128x64xf32, #tpu.memory_space<vmem>>
      %dma_start3A_387 = arith.constant 0 : i32
      %dma_start3A_388 = tpu.memref_slice %arg5[%add3A_347, %dma_start3A_387] : memref<200x128xi32, #tpu.memory_space<vmem>> -> memref<1x128xi32, #tpu.memory_space<vmem>>
      %dma_start3A_389 = tpu.memref_squeeze %dma_start3A_388 : memref<1x128xi32, #tpu.memory_space<vmem>> -> memref<128xi32, #tpu.memory_space<vmem>>
      %dma_start3A_390 = arith.constant 0 : i32
      %dma_start3A_391 = arith.constant 0 : i32
      %dma_start3A_392 = tpu.memref_slice %arg2[%dma_start3A_390, %dma_start3A_391] : memref<1000000x64xf32, #tpu.memory_space<hbm>> -> memref<1000000x64xf32, #tpu.memory_space<hbm>>
      tpu.enqueue_indirect_dma source(%dma_start3A_392 : memref<1000000x64xf32, #tpu.memory_space<hbm>>) target(%dma_start3A_386 : memref<128x64xf32, #tpu.memory_space<vmem>>) offsets(%dma_start3A_389 : memref<128xi32, #tpu.memory_space<vmem>>) semaphore(%arg9 : memref<!tpu.dma_semaphore, #tpu.memory_space<semaphore_mem>>)
      %mul3A_393 = arith.constant 5 : i32
      %mul3A_394 = arith.muli %mul3A_317, %mul3A_393 : i32
      %add3A_395 = arith.constant 0 : i32
      %add3A_396 = arith.addi %mul3A_394, %add3A_395 : i32
      %mul3A_397 = arith.constant 5 : i32
      %mul3A_398 = arith.muli %mul3A_317, %mul3A_397 : i32
      %add3A_399 = arith.constant 1 : i32
      %add3A_400 = arith.addi %mul3A_398, %add3A_399 : i32
      %mul3A_401 = arith.constant 5 : i32
      %mul3A_402 = arith.muli %mul3A_317, %mul3A_401 : i32
      %add3A_403 = arith.constant 2 : i32
      %add3A_404 = arith.addi %mul3A_402, %add3A_403 : i32
      %mul3A_405 = arith.constant 5 : i32
      %mul3A_406 = arith.muli %mul3A_317, %mul3A_405 : i32
      %add3A_407 = arith.constant 3 : i32
      %add3A_408 = arith.addi %mul3A_406, %add3A_407 : i32
      %mul3A_409 = arith.constant 5 : i32
      %mul3A_410 = arith.muli %mul3A_317, %mul3A_409 : i32
      %add3A_411 = arith.constant 4 : i32
      %add3A_412 = arith.addi %mul3A_410, %add3A_411 : i32
      %dma_wait3A_413 = arith.constant 0 : i32
      %dma_wait3A_414 = arith.constant 0 : i32
      %dma_wait3A_415 = tpu.memref_slice %arg6[%dma_wait3A_413, %dma_wait3A_414] : memref<640x64xf32, #tpu.memory_space<vmem>> -> memref<128x64xf32, #tpu.memory_space<vmem>>
      %dma_wait3A_416 = arith.constant 0 : i32
      %dma_wait3A_417 = tpu.memref_slice %arg5[%add3A_396, %dma_wait3A_416] : memref<200x128xi32, #tpu.memory_space<vmem>> -> memref<1x128xi32, #tpu.memory_space<vmem>>
      %dma_wait3A_418 = tpu.memref_squeeze %dma_wait3A_417 : memref<1x128xi32, #tpu.memory_space<vmem>> -> memref<128xi32, #tpu.memory_space<vmem>>
      %dma_wait3A_419 = arith.constant 0 : i32
      %dma_wait3A_420 = arith.constant 0 : i32
      %dma_wait3A_421 = tpu.memref_slice %arg2[%dma_wait3A_419, %dma_wait3A_420] : memref<1000000x64xf32, #tpu.memory_space<hbm>> -> memref<1000000x64xf32, #tpu.memory_space<hbm>>
      tpu.wait_indirect_dma semaphore(%arg8 : memref<!tpu.dma_semaphore, #tpu.memory_space<semaphore_mem>>) src(%dma_wait3A_421 : memref<1000000x64xf32, #tpu.memory_space<hbm>>) dst(%dma_wait3A_415 : memref<128x64xf32, #tpu.memory_space<vmem>>)
      %dma_wait3A_422 = arith.constant 128 : i32
      %dma_wait3A_423 = arith.constant 0 : i32
      %dma_wait3A_424 = tpu.memref_slice %arg6[%dma_wait3A_422, %dma_wait3A_423] : memref<640x64xf32, #tpu.memory_space<vmem>> -> memref<128x64xf32, #tpu.memory_space<vmem>>
      %dma_wait3A_425 = arith.constant 0 : i32
      %dma_wait3A_426 = tpu.memref_slice %arg5[%add3A_400, %dma_wait3A_425] : memref<200x128xi32, #tpu.memory_space<vmem>> -> memref<1x128xi32, #tpu.memory_space<vmem>>
      %dma_wait3A_427 = tpu.memref_squeeze %dma_wait3A_426 : memref<1x128xi32, #tpu.memory_space<vmem>> -> memref<128xi32, #tpu.memory_space<vmem>>
      %dma_wait3A_428 = arith.constant 0 : i32
      %dma_wait3A_429 = arith.constant 0 : i32
      %dma_wait3A_430 = tpu.memref_slice %arg2[%dma_wait3A_428, %dma_wait3A_429] : memref<1000000x64xf32, #tpu.memory_space<hbm>> -> memref<1000000x64xf32, #tpu.memory_space<hbm>>
      tpu.wait_indirect_dma semaphore(%arg8 : memref<!tpu.dma_semaphore, #tpu.memory_space<semaphore_mem>>) src(%dma_wait3A_430 : memref<1000000x64xf32, #tpu.memory_space<hbm>>) dst(%dma_wait3A_424 : memref<128x64xf32, #tpu.memory_space<vmem>>)
      %dma_wait3A_431 = arith.constant 256 : i32
      %dma_wait3A_432 = arith.constant 0 : i32
      %dma_wait3A_433 = tpu.memref_slice %arg6[%dma_wait3A_431, %dma_wait3A_432] : memref<640x64xf32, #tpu.memory_space<vmem>> -> memref<128x64xf32, #tpu.memory_space<vmem>>
      %dma_wait3A_434 = arith.constant 0 : i32
      %dma_wait3A_435 = tpu.memref_slice %arg5[%add3A_404, %dma_wait3A_434] : memref<200x128xi32, #tpu.memory_space<vmem>> -> memref<1x128xi32, #tpu.memory_space<vmem>>
      %dma_wait3A_436 = tpu.memref_squeeze %dma_wait3A_435 : memref<1x128xi32, #tpu.memory_space<vmem>> -> memref<128xi32, #tpu.memory_space<vmem>>
      %dma_wait3A_437 = arith.constant 0 : i32
      %dma_wait3A_438 = arith.constant 0 : i32
      %dma_wait3A_439 = tpu.memref_slice %arg2[%dma_wait3A_437, %dma_wait3A_438] : memref<1000000x64xf32, #tpu.memory_space<hbm>> -> memref<1000000x64xf32, #tpu.memory_space<hbm>>
      tpu.wait_indirect_dma semaphore(%arg8 : memref<!tpu.dma_semaphore, #tpu.memory_space<semaphore_mem>>) src(%dma_wait3A_439 : memref<1000000x64xf32, #tpu.memory_space<hbm>>) dst(%dma_wait3A_433 : memref<128x64xf32, #tpu.memory_space<vmem>>)
      %dma_wait3A_440 = arith.constant 384 : i32
      %dma_wait3A_441 = arith.constant 0 : i32
      %dma_wait3A_442 = tpu.memref_slice %arg6[%dma_wait3A_440, %dma_wait3A_441] : memref<640x64xf32, #tpu.memory_space<vmem>> -> memref<128x64xf32, #tpu.memory_space<vmem>>
      %dma_wait3A_443 = arith.constant 0 : i32
      %dma_wait3A_444 = tpu.memref_slice %arg5[%add3A_408, %dma_wait3A_443] : memref<200x128xi32, #tpu.memory_space<vmem>> -> memref<1x128xi32, #tpu.memory_space<vmem>>
      %dma_wait3A_445 = tpu.memref_squeeze %dma_wait3A_444 : memref<1x128xi32, #tpu.memory_space<vmem>> -> memref<128xi32, #tpu.memory_space<vmem>>
      %dma_wait3A_446 = arith.constant 0 : i32
      %dma_wait3A_447 = arith.constant 0 : i32
      %dma_wait3A_448 = tpu.memref_slice %arg2[%dma_wait3A_446, %dma_wait3A_447] : memref<1000000x64xf32, #tpu.memory_space<hbm>> -> memref<1000000x64xf32, #tpu.memory_space<hbm>>
      tpu.wait_indirect_dma semaphore(%arg8 : memref<!tpu.dma_semaphore, #tpu.memory_space<semaphore_mem>>) src(%dma_wait3A_448 : memref<1000000x64xf32, #tpu.memory_space<hbm>>) dst(%dma_wait3A_442 : memref<128x64xf32, #tpu.memory_space<vmem>>)
      %dma_wait3A_449 = arith.constant 512 : i32
      %dma_wait3A_450 = arith.constant 0 : i32
      %dma_wait3A_451 = tpu.memref_slice %arg6[%dma_wait3A_449, %dma_wait3A_450] : memref<640x64xf32, #tpu.memory_space<vmem>> -> memref<128x64xf32, #tpu.memory_space<vmem>>
      %dma_wait3A_452 = arith.constant 0 : i32
      %dma_wait3A_453 = tpu.memref_slice %arg5[%add3A_412, %dma_wait3A_452] : memref<200x128xi32, #tpu.memory_space<vmem>> -> memref<1x128xi32, #tpu.memory_space<vmem>>
      %dma_wait3A_454 = tpu.memref_squeeze %dma_wait3A_453 : memref<1x128xi32, #tpu.memory_space<vmem>> -> memref<128xi32, #tpu.memory_space<vmem>>
      %dma_wait3A_455 = arith.constant 0 : i32
      %dma_wait3A_456 = arith.constant 0 : i32
      %dma_wait3A_457 = tpu.memref_slice %arg2[%dma_wait3A_455, %dma_wait3A_456] : memref<1000000x64xf32, #tpu.memory_space<hbm>> -> memref<1000000x64xf32, #tpu.memory_space<hbm>>
      tpu.wait_indirect_dma semaphore(%arg8 : memref<!tpu.dma_semaphore, #tpu.memory_space<semaphore_mem>>) src(%dma_wait3A_457 : memref<1000000x64xf32, #tpu.memory_space<hbm>>) dst(%dma_wait3A_451 : memref<128x64xf32, #tpu.memory_space<vmem>>)
      %mul3A_458 = arith.constant 640 : i32
      %mul3A_459 = arith.muli %mul3A_317, %mul3A_458 : i32
      %add3A_460 = arith.addi %mul3A_2, %mul3A_459 : i32
      %dma_start3A_461 = arith.constant 0 : i32
      %dma_start3A_462 = tpu.memref_slice %arg4[%add3A_460, %dma_start3A_461] : memref<819200x128xf32, #tpu.memory_space<hbm>> -> memref<640x64xf32, #tpu.memory_space<hbm>>
      %dma_start3A_463 = arith.constant 0 : i32
      %dma_start3A_464 = tpu.memref_slice %arg4[%add3A_460, %dma_start3A_463] : memref<819200x128xf32, #tpu.memory_space<hbm>> -> memref<640x64xf32, #tpu.memory_space<hbm>>
      tpu.enqueue_dma source(%arg6 : memref<640x64xf32, #tpu.memory_space<vmem>>) target(%dma_start3A_464 : memref<640x64xf32, #tpu.memory_space<hbm>>) target_semaphore(%arg10 : memref<!tpu.dma_semaphore, #tpu.memory_space<semaphore_mem>>)
      %lt3A = arith.constant 19 : i32
      %lt3A_465 = arith.cmpi slt, %add3A_315, %lt3A : i32
      %convert_element_type3A = arith.extui %lt3A_465 : i1 to i32
      %cond3A = arith.constant 0 : i32
      %cond3A_466 = arith.cmpi ne, %convert_element_type3A, %cond3A : i32
      scf.if %cond3A_466 {
        %mul3A_471 = arith.constant 2 : i32
        %mul3A_472 = arith.muli %mul3A_471, %add3A_315 : i32
        %add3A_473 = arith.constant 1 : i32
        %add3A_474 = arith.addi %mul3A_472, %add3A_473 : i32
        %sub3A_475 = arith.constant 1 : i32
        %sub3A_476 = arith.subi %add3A_474, %sub3A_475 : i32
        %mul3A_477 = arith.constant 640 : i32
        %mul3A_478 = arith.muli %sub3A_476, %mul3A_477 : i32
        %add3A_479 = arith.addi %mul3A_2, %mul3A_478 : i32
        %dma_wait3A_480 = arith.constant 0 : i32
        %dma_wait3A_481 = tpu.memref_slice %arg4[%add3A_479, %dma_wait3A_480] : memref<819200x128xf32, #tpu.memory_space<hbm>> -> memref<640x64xf32, #tpu.memory_space<hbm>>
        %dma_wait3A_482 = arith.constant 0 : i32
        %dma_wait3A_483 = tpu.memref_slice %arg4[%add3A_479, %dma_wait3A_482] : memref<819200x128xf32, #tpu.memory_space<hbm>> -> memref<640x64xf32, #tpu.memory_space<hbm>>
        tpu.wait_dma2 semaphore(%arg10 : memref<!tpu.dma_semaphore, #tpu.memory_space<semaphore_mem>>) src(%arg6 : memref<640x64xf32, #tpu.memory_space<vmem>>) dst(%dma_wait3A_483 : memref<640x64xf32, #tpu.memory_space<hbm>>)
        %add3A_484 = arith.constant 1 : i32
        %add3A_485 = arith.addi %add3A_474, %add3A_484 : i32
        %mul3A_486 = arith.constant 5 : i32
        %mul3A_487 = arith.muli %add3A_485, %mul3A_486 : i32
        %add3A_488 = arith.constant 0 : i32
        %add3A_489 = arith.addi %mul3A_487, %add3A_488 : i32
        %mul3A_490 = arith.constant 5 : i32
        %mul3A_491 = arith.muli %add3A_485, %mul3A_490 : i32
        %add3A_492 = arith.constant 1 : i32
        %add3A_493 = arith.addi %mul3A_491, %add3A_492 : i32
        %mul3A_494 = arith.constant 5 : i32
        %mul3A_495 = arith.muli %add3A_485, %mul3A_494 : i32
        %add3A_496 = arith.constant 2 : i32
        %add3A_497 = arith.addi %mul3A_495, %add3A_496 : i32
        %mul3A_498 = arith.constant 5 : i32
        %mul3A_499 = arith.muli %add3A_485, %mul3A_498 : i32
        %add3A_500 = arith.constant 3 : i32
        %add3A_501 = arith.addi %mul3A_499, %add3A_500 : i32
        %mul3A_502 = arith.constant 5 : i32
        %mul3A_503 = arith.muli %add3A_485, %mul3A_502 : i32
        %add3A_504 = arith.constant 4 : i32
        %add3A_505 = arith.addi %mul3A_503, %add3A_504 : i32
        %dma_start3A_506 = arith.constant 0 : i32
        %dma_start3A_507 = arith.constant 0 : i32
        %dma_start3A_508 = tpu.memref_slice %arg6[%dma_start3A_506, %dma_start3A_507] : memref<640x64xf32, #tpu.memory_space<vmem>> -> memref<128x64xf32, #tpu.memory_space<vmem>>
        %dma_start3A_509 = arith.constant 0 : i32
        %dma_start3A_510 = tpu.memref_slice %arg5[%add3A_489, %dma_start3A_509] : memref<200x128xi32, #tpu.memory_space<vmem>> -> memref<1x128xi32, #tpu.memory_space<vmem>>
        %dma_start3A_511 = tpu.memref_squeeze %dma_start3A_510 : memref<1x128xi32, #tpu.memory_space<vmem>> -> memref<128xi32, #tpu.memory_space<vmem>>
        %dma_start3A_512 = arith.constant 0 : i32
        %dma_start3A_513 = arith.constant 0 : i32
        %dma_start3A_514 = tpu.memref_slice %arg2[%dma_start3A_512, %dma_start3A_513] : memref<1000000x64xf32, #tpu.memory_space<hbm>> -> memref<1000000x64xf32, #tpu.memory_space<hbm>>
        tpu.enqueue_indirect_dma source(%dma_start3A_514 : memref<1000000x64xf32, #tpu.memory_space<hbm>>) target(%dma_start3A_508 : memref<128x64xf32, #tpu.memory_space<vmem>>) offsets(%dma_start3A_511 : memref<128xi32, #tpu.memory_space<vmem>>) semaphore(%arg8 : memref<!tpu.dma_semaphore, #tpu.memory_space<semaphore_mem>>)
        %dma_start3A_515 = arith.constant 128 : i32
        %dma_start3A_516 = arith.constant 0 : i32
        %dma_start3A_517 = tpu.memref_slice %arg6[%dma_start3A_515, %dma_start3A_516] : memref<640x64xf32, #tpu.memory_space<vmem>> -> memref<128x64xf32, #tpu.memory_space<vmem>>
        %dma_start3A_518 = arith.constant 0 : i32
        %dma_start3A_519 = tpu.memref_slice %arg5[%add3A_493, %dma_start3A_518] : memref<200x128xi32, #tpu.memory_space<vmem>> -> memref<1x128xi32, #tpu.memory_space<vmem>>
        %dma_start3A_520 = tpu.memref_squeeze %dma_start3A_519 : memref<1x128xi32, #tpu.memory_space<vmem>> -> memref<128xi32, #tpu.memory_space<vmem>>
        %dma_start3A_521 = arith.constant 0 : i32
        %dma_start3A_522 = arith.constant 0 : i32
        %dma_start3A_523 = tpu.memref_slice %arg2[%dma_start3A_521, %dma_start3A_522] : memref<1000000x64xf32, #tpu.memory_space<hbm>> -> memref<1000000x64xf32, #tpu.memory_space<hbm>>
        tpu.enqueue_indirect_dma source(%dma_start3A_523 : memref<1000000x64xf32, #tpu.memory_space<hbm>>) target(%dma_start3A_517 : memref<128x64xf32, #tpu.memory_space<vmem>>) offsets(%dma_start3A_520 : memref<128xi32, #tpu.memory_space<vmem>>) semaphore(%arg8 : memref<!tpu.dma_semaphore, #tpu.memory_space<semaphore_mem>>)
        %dma_start3A_524 = arith.constant 256 : i32
        %dma_start3A_525 = arith.constant 0 : i32
        %dma_start3A_526 = tpu.memref_slice %arg6[%dma_start3A_524, %dma_start3A_525] : memref<640x64xf32, #tpu.memory_space<vmem>> -> memref<128x64xf32, #tpu.memory_space<vmem>>
        %dma_start3A_527 = arith.constant 0 : i32
        %dma_start3A_528 = tpu.memref_slice %arg5[%add3A_497, %dma_start3A_527] : memref<200x128xi32, #tpu.memory_space<vmem>> -> memref<1x128xi32, #tpu.memory_space<vmem>>
        %dma_start3A_529 = tpu.memref_squeeze %dma_start3A_528 : memref<1x128xi32, #tpu.memory_space<vmem>> -> memref<128xi32, #tpu.memory_space<vmem>>
        %dma_start3A_530 = arith.constant 0 : i32
        %dma_start3A_531 = arith.constant 0 : i32
        %dma_start3A_532 = tpu.memref_slice %arg2[%dma_start3A_530, %dma_start3A_531] : memref<1000000x64xf32, #tpu.memory_space<hbm>> -> memref<1000000x64xf32, #tpu.memory_space<hbm>>
        tpu.enqueue_indirect_dma source(%dma_start3A_532 : memref<1000000x64xf32, #tpu.memory_space<hbm>>) target(%dma_start3A_526 : memref<128x64xf32, #tpu.memory_space<vmem>>) offsets(%dma_start3A_529 : memref<128xi32, #tpu.memory_space<vmem>>) semaphore(%arg8 : memref<!tpu.dma_semaphore, #tpu.memory_space<semaphore_mem>>)
        %dma_start3A_533 = arith.constant 384 : i32
        %dma_start3A_534 = arith.constant 0 : i32
        %dma_start3A_535 = tpu.memref_slice %arg6[%dma_start3A_533, %dma_start3A_534] : memref<640x64xf32, #tpu.memory_space<vmem>> -> memref<128x64xf32, #tpu.memory_space<vmem>>
        %dma_start3A_536 = arith.constant 0 : i32
        %dma_start3A_537 = tpu.memref_slice %arg5[%add3A_501, %dma_start3A_536] : memref<200x128xi32, #tpu.memory_space<vmem>> -> memref<1x128xi32, #tpu.memory_space<vmem>>
        %dma_start3A_538 = tpu.memref_squeeze %dma_start3A_537 : memref<1x128xi32, #tpu.memory_space<vmem>> -> memref<128xi32, #tpu.memory_space<vmem>>
        %dma_start3A_539 = arith.constant 0 : i32
        %dma_start3A_540 = arith.constant 0 : i32
        %dma_start3A_541 = tpu.memref_slice %arg2[%dma_start3A_539, %dma_start3A_540] : memref<1000000x64xf32, #tpu.memory_space<hbm>> -> memref<1000000x64xf32, #tpu.memory_space<hbm>>
        tpu.enqueue_indirect_dma source(%dma_start3A_541 : memref<1000000x64xf32, #tpu.memory_space<hbm>>) target(%dma_start3A_535 : memref<128x64xf32, #tpu.memory_space<vmem>>) offsets(%dma_start3A_538 : memref<128xi32, #tpu.memory_space<vmem>>) semaphore(%arg8 : memref<!tpu.dma_semaphore, #tpu.memory_space<semaphore_mem>>)
        %dma_start3A_542 = arith.constant 512 : i32
        %dma_start3A_543 = arith.constant 0 : i32
        %dma_start3A_544 = tpu.memref_slice %arg6[%dma_start3A_542, %dma_start3A_543] : memref<640x64xf32, #tpu.memory_space<vmem>> -> memref<128x64xf32, #tpu.memory_space<vmem>>
        %dma_start3A_545 = arith.constant 0 : i32
        %dma_start3A_546 = tpu.memref_slice %arg5[%add3A_505, %dma_start3A_545] : memref<200x128xi32, #tpu.memory_space<vmem>> -> memref<1x128xi32, #tpu.memory_space<vmem>>
        %dma_start3A_547 = tpu.memref_squeeze %dma_start3A_546 : memref<1x128xi32, #tpu.memory_space<vmem>> -> memref<128xi32, #tpu.memory_space<vmem>>
        %dma_start3A_548 = arith.constant 0 : i32
        %dma_start3A_549 = arith.constant 0 : i32
        %dma_start3A_550 = tpu.memref_slice %arg2[%dma_start3A_548, %dma_start3A_549] : memref<1000000x64xf32, #tpu.memory_space<hbm>> -> memref<1000000x64xf32, #tpu.memory_space<hbm>>
        tpu.enqueue_indirect_dma source(%dma_start3A_550 : memref<1000000x64xf32, #tpu.memory_space<hbm>>) target(%dma_start3A_544 : memref<128x64xf32, #tpu.memory_space<vmem>>) offsets(%dma_start3A_547 : memref<128xi32, #tpu.memory_space<vmem>>) semaphore(%arg8 : memref<!tpu.dma_semaphore, #tpu.memory_space<semaphore_mem>>)
        %mul3A_551 = arith.constant 5 : i32
        %mul3A_552 = arith.muli %add3A_474, %mul3A_551 : i32
        %add3A_553 = arith.constant 0 : i32
        %add3A_554 = arith.addi %mul3A_552, %add3A_553 : i32
        %mul3A_555 = arith.constant 5 : i32
        %mul3A_556 = arith.muli %add3A_474, %mul3A_555 : i32
        %add3A_557 = arith.constant 1 : i32
        %add3A_558 = arith.addi %mul3A_556, %add3A_557 : i32
        %mul3A_559 = arith.constant 5 : i32
        %mul3A_560 = arith.muli %add3A_474, %mul3A_559 : i32
        %add3A_561 = arith.constant 2 : i32
        %add3A_562 = arith.addi %mul3A_560, %add3A_561 : i32
        %mul3A_563 = arith.constant 5 : i32
        %mul3A_564 = arith.muli %add3A_474, %mul3A_563 : i32
        %add3A_565 = arith.constant 3 : i32
        %add3A_566 = arith.addi %mul3A_564, %add3A_565 : i32
        %mul3A_567 = arith.constant 5 : i32
        %mul3A_568 = arith.muli %add3A_474, %mul3A_567 : i32
        %add3A_569 = arith.constant 4 : i32
        %add3A_570 = arith.addi %mul3A_568, %add3A_569 : i32
        %dma_wait3A_571 = arith.constant 0 : i32
        %dma_wait3A_572 = arith.constant 0 : i32
        %dma_wait3A_573 = tpu.memref_slice %arg7[%dma_wait3A_571, %dma_wait3A_572] : memref<640x64xf32, #tpu.memory_space<vmem>> -> memref<128x64xf32, #tpu.memory_space<vmem>>
        %dma_wait3A_574 = arith.constant 0 : i32
        %dma_wait3A_575 = tpu.memref_slice %arg5[%add3A_554, %dma_wait3A_574] : memref<200x128xi32, #tpu.memory_space<vmem>> -> memref<1x128xi32, #tpu.memory_space<vmem>>
        %dma_wait3A_576 = tpu.memref_squeeze %dma_wait3A_575 : memref<1x128xi32, #tpu.memory_space<vmem>> -> memref<128xi32, #tpu.memory_space<vmem>>
        %dma_wait3A_577 = arith.constant 0 : i32
        %dma_wait3A_578 = arith.constant 0 : i32
        %dma_wait3A_579 = tpu.memref_slice %arg2[%dma_wait3A_577, %dma_wait3A_578] : memref<1000000x64xf32, #tpu.memory_space<hbm>> -> memref<1000000x64xf32, #tpu.memory_space<hbm>>
        tpu.wait_indirect_dma semaphore(%arg9 : memref<!tpu.dma_semaphore, #tpu.memory_space<semaphore_mem>>) src(%dma_wait3A_579 : memref<1000000x64xf32, #tpu.memory_space<hbm>>) dst(%dma_wait3A_573 : memref<128x64xf32, #tpu.memory_space<vmem>>)
        %dma_wait3A_580 = arith.constant 128 : i32
        %dma_wait3A_581 = arith.constant 0 : i32
        %dma_wait3A_582 = tpu.memref_slice %arg7[%dma_wait3A_580, %dma_wait3A_581] : memref<640x64xf32, #tpu.memory_space<vmem>> -> memref<128x64xf32, #tpu.memory_space<vmem>>
        %dma_wait3A_583 = arith.constant 0 : i32
        %dma_wait3A_584 = tpu.memref_slice %arg5[%add3A_558, %dma_wait3A_583] : memref<200x128xi32, #tpu.memory_space<vmem>> -> memref<1x128xi32, #tpu.memory_space<vmem>>
        %dma_wait3A_585 = tpu.memref_squeeze %dma_wait3A_584 : memref<1x128xi32, #tpu.memory_space<vmem>> -> memref<128xi32, #tpu.memory_space<vmem>>
        %dma_wait3A_586 = arith.constant 0 : i32
        %dma_wait3A_587 = arith.constant 0 : i32
        %dma_wait3A_588 = tpu.memref_slice %arg2[%dma_wait3A_586, %dma_wait3A_587] : memref<1000000x64xf32, #tpu.memory_space<hbm>> -> memref<1000000x64xf32, #tpu.memory_space<hbm>>
        tpu.wait_indirect_dma semaphore(%arg9 : memref<!tpu.dma_semaphore, #tpu.memory_space<semaphore_mem>>) src(%dma_wait3A_588 : memref<1000000x64xf32, #tpu.memory_space<hbm>>) dst(%dma_wait3A_582 : memref<128x64xf32, #tpu.memory_space<vmem>>)
        %dma_wait3A_589 = arith.constant 256 : i32
        %dma_wait3A_590 = arith.constant 0 : i32
        %dma_wait3A_591 = tpu.memref_slice %arg7[%dma_wait3A_589, %dma_wait3A_590] : memref<640x64xf32, #tpu.memory_space<vmem>> -> memref<128x64xf32, #tpu.memory_space<vmem>>
        %dma_wait3A_592 = arith.constant 0 : i32
        %dma_wait3A_593 = tpu.memref_slice %arg5[%add3A_562, %dma_wait3A_592] : memref<200x128xi32, #tpu.memory_space<vmem>> -> memref<1x128xi32, #tpu.memory_space<vmem>>
        %dma_wait3A_594 = tpu.memref_squeeze %dma_wait3A_593 : memref<1x128xi32, #tpu.memory_space<vmem>> -> memref<128xi32, #tpu.memory_space<vmem>>
        %dma_wait3A_595 = arith.constant 0 : i32
        %dma_wait3A_596 = arith.constant 0 : i32
        %dma_wait3A_597 = tpu.memref_slice %arg2[%dma_wait3A_595, %dma_wait3A_596] : memref<1000000x64xf32, #tpu.memory_space<hbm>> -> memref<1000000x64xf32, #tpu.memory_space<hbm>>
        tpu.wait_indirect_dma semaphore(%arg9 : memref<!tpu.dma_semaphore, #tpu.memory_space<semaphore_mem>>) src(%dma_wait3A_597 : memref<1000000x64xf32, #tpu.memory_space<hbm>>) dst(%dma_wait3A_591 : memref<128x64xf32, #tpu.memory_space<vmem>>)
        %dma_wait3A_598 = arith.constant 384 : i32
        %dma_wait3A_599 = arith.constant 0 : i32
        %dma_wait3A_600 = tpu.memref_slice %arg7[%dma_wait3A_598, %dma_wait3A_599] : memref<640x64xf32, #tpu.memory_space<vmem>> -> memref<128x64xf32, #tpu.memory_space<vmem>>
        %dma_wait3A_601 = arith.constant 0 : i32
        %dma_wait3A_602 = tpu.memref_slice %arg5[%add3A_566, %dma_wait3A_601] : memref<200x128xi32, #tpu.memory_space<vmem>> -> memref<1x128xi32, #tpu.memory_space<vmem>>
        %dma_wait3A_603 = tpu.memref_squeeze %dma_wait3A_602 : memref<1x128xi32, #tpu.memory_space<vmem>> -> memref<128xi32, #tpu.memory_space<vmem>>
        %dma_wait3A_604 = arith.constant 0 : i32
        %dma_wait3A_605 = arith.constant 0 : i32
        %dma_wait3A_606 = tpu.memref_slice %arg2[%dma_wait3A_604, %dma_wait3A_605] : memref<1000000x64xf32, #tpu.memory_space<hbm>> -> memref<1000000x64xf32, #tpu.memory_space<hbm>>
        tpu.wait_indirect_dma semaphore(%arg9 : memref<!tpu.dma_semaphore, #tpu.memory_space<semaphore_mem>>) src(%dma_wait3A_606 : memref<1000000x64xf32, #tpu.memory_space<hbm>>) dst(%dma_wait3A_600 : memref<128x64xf32, #tpu.memory_space<vmem>>)
        %dma_wait3A_607 = arith.constant 512 : i32
        %dma_wait3A_608 = arith.constant 0 : i32
        %dma_wait3A_609 = tpu.memref_slice %arg7[%dma_wait3A_607, %dma_wait3A_608] : memref<640x64xf32, #tpu.memory_space<vmem>> -> memref<128x64xf32, #tpu.memory_space<vmem>>
        %dma_wait3A_610 = arith.constant 0 : i32
        %dma_wait3A_611 = tpu.memref_slice %arg5[%add3A_570, %dma_wait3A_610] : memref<200x128xi32, #tpu.memory_space<vmem>> -> memref<1x128xi32, #tpu.memory_space<vmem>>
        %dma_wait3A_612 = tpu.memref_squeeze %dma_wait3A_611 : memref<1x128xi32, #tpu.memory_space<vmem>> -> memref<128xi32, #tpu.memory_space<vmem>>
        %dma_wait3A_613 = arith.constant 0 : i32
        %dma_wait3A_614 = arith.constant 0 : i32
        %dma_wait3A_615 = tpu.memref_slice %arg2[%dma_wait3A_613, %dma_wait3A_614] : memref<1000000x64xf32, #tpu.memory_space<hbm>> -> memref<1000000x64xf32, #tpu.memory_space<hbm>>
        tpu.wait_indirect_dma semaphore(%arg9 : memref<!tpu.dma_semaphore, #tpu.memory_space<semaphore_mem>>) src(%dma_wait3A_615 : memref<1000000x64xf32, #tpu.memory_space<hbm>>) dst(%dma_wait3A_609 : memref<128x64xf32, #tpu.memory_space<vmem>>)
        %mul3A_616 = arith.constant 640 : i32
        %mul3A_617 = arith.muli %add3A_474, %mul3A_616 : i32
        %add3A_618 = arith.addi %mul3A_2, %mul3A_617 : i32
        %dma_start3A_619 = arith.constant 0 : i32
        %dma_start3A_620 = tpu.memref_slice %arg4[%add3A_618, %dma_start3A_619] : memref<819200x128xf32, #tpu.memory_space<hbm>> -> memref<640x64xf32, #tpu.memory_space<hbm>>
        %dma_start3A_621 = arith.constant 0 : i32
        %dma_start3A_622 = tpu.memref_slice %arg4[%add3A_618, %dma_start3A_621] : memref<819200x128xf32, #tpu.memory_space<hbm>> -> memref<640x64xf32, #tpu.memory_space<hbm>>
        tpu.enqueue_dma source(%arg7 : memref<640x64xf32, #tpu.memory_space<vmem>>) target(%dma_start3A_622 : memref<640x64xf32, #tpu.memory_space<hbm>>) target_semaphore(%arg11 : memref<!tpu.dma_semaphore, #tpu.memory_space<semaphore_mem>>)
      } else {
      }
      %eq3A = arith.constant 19 : i32
      %eq3A_467 = arith.cmpi eq, %add3A_315, %eq3A : i32
      %convert_element_type3A_468 = arith.extui %eq3A_467 : i1 to i32
      %cond3A_469 = arith.constant 0 : i32
      %cond3A_470 = arith.cmpi ne, %convert_element_type3A_468, %cond3A_469 : i32
      scf.if %cond3A_470 {
        %mul3A_471 = arith.constant 2 : i32
        %mul3A_472 = arith.muli %mul3A_471, %add3A_315 : i32
        %add3A_473 = arith.constant 1 : i32
        %add3A_474 = arith.addi %mul3A_472, %add3A_473 : i32
        %mul3A_475 = arith.constant 5 : i32
        %mul3A_476 = arith.muli %add3A_474, %mul3A_475 : i32
        %add3A_477 = arith.constant 0 : i32
        %add3A_478 = arith.addi %mul3A_476, %add3A_477 : i32
        %mul3A_479 = arith.constant 5 : i32
        %mul3A_480 = arith.muli %add3A_474, %mul3A_479 : i32
        %add3A_481 = arith.constant 1 : i32
        %add3A_482 = arith.addi %mul3A_480, %add3A_481 : i32
        %mul3A_483 = arith.constant 5 : i32
        %mul3A_484 = arith.muli %add3A_474, %mul3A_483 : i32
        %add3A_485 = arith.constant 2 : i32
        %add3A_486 = arith.addi %mul3A_484, %add3A_485 : i32
        %mul3A_487 = arith.constant 5 : i32
        %mul3A_488 = arith.muli %add3A_474, %mul3A_487 : i32
        %add3A_489 = arith.constant 3 : i32
        %add3A_490 = arith.addi %mul3A_488, %add3A_489 : i32
        %mul3A_491 = arith.constant 5 : i32
        %mul3A_492 = arith.muli %add3A_474, %mul3A_491 : i32
        %add3A_493 = arith.constant 4 : i32
        %add3A_494 = arith.addi %mul3A_492, %add3A_493 : i32
        %dma_wait3A_495 = arith.constant 0 : i32
        %dma_wait3A_496 = arith.constant 0 : i32
        %dma_wait3A_497 = tpu.memref_slice %arg7[%dma_wait3A_495, %dma_wait3A_496] : memref<640x64xf32, #tpu.memory_space<vmem>> -> memref<128x64xf32, #tpu.memory_space<vmem>>
        %dma_wait3A_498 = arith.constant 0 : i32
        %dma_wait3A_499 = tpu.memref_slice %arg5[%add3A_478, %dma_wait3A_498] : memref<200x128xi32, #tpu.memory_space<vmem>> -> memref<1x128xi32, #tpu.memory_space<vmem>>
        %dma_wait3A_500 = tpu.memref_squeeze %dma_wait3A_499 : memref<1x128xi32, #tpu.memory_space<vmem>> -> memref<128xi32, #tpu.memory_space<vmem>>
        %dma_wait3A_501 = arith.constant 0 : i32
        %dma_wait3A_502 = arith.constant 0 : i32
        %dma_wait3A_503 = tpu.memref_slice %arg2[%dma_wait3A_501, %dma_wait3A_502] : memref<1000000x64xf32, #tpu.memory_space<hbm>> -> memref<1000000x64xf32, #tpu.memory_space<hbm>>
        tpu.wait_indirect_dma semaphore(%arg9 : memref<!tpu.dma_semaphore, #tpu.memory_space<semaphore_mem>>) src(%dma_wait3A_503 : memref<1000000x64xf32, #tpu.memory_space<hbm>>) dst(%dma_wait3A_497 : memref<128x64xf32, #tpu.memory_space<vmem>>)
        %dma_wait3A_504 = arith.constant 128 : i32
        %dma_wait3A_505 = arith.constant 0 : i32
        %dma_wait3A_506 = tpu.memref_slice %arg7[%dma_wait3A_504, %dma_wait3A_505] : memref<640x64xf32, #tpu.memory_space<vmem>> -> memref<128x64xf32, #tpu.memory_space<vmem>>
        %dma_wait3A_507 = arith.constant 0 : i32
        %dma_wait3A_508 = tpu.memref_slice %arg5[%add3A_482, %dma_wait3A_507] : memref<200x128xi32, #tpu.memory_space<vmem>> -> memref<1x128xi32, #tpu.memory_space<vmem>>
        %dma_wait3A_509 = tpu.memref_squeeze %dma_wait3A_508 : memref<1x128xi32, #tpu.memory_space<vmem>> -> memref<128xi32, #tpu.memory_space<vmem>>
        %dma_wait3A_510 = arith.constant 0 : i32
        %dma_wait3A_511 = arith.constant 0 : i32
        %dma_wait3A_512 = tpu.memref_slice %arg2[%dma_wait3A_510, %dma_wait3A_511] : memref<1000000x64xf32, #tpu.memory_space<hbm>> -> memref<1000000x64xf32, #tpu.memory_space<hbm>>
        tpu.wait_indirect_dma semaphore(%arg9 : memref<!tpu.dma_semaphore, #tpu.memory_space<semaphore_mem>>) src(%dma_wait3A_512 : memref<1000000x64xf32, #tpu.memory_space<hbm>>) dst(%dma_wait3A_506 : memref<128x64xf32, #tpu.memory_space<vmem>>)
        %dma_wait3A_513 = arith.constant 256 : i32
        %dma_wait3A_514 = arith.constant 0 : i32
        %dma_wait3A_515 = tpu.memref_slice %arg7[%dma_wait3A_513, %dma_wait3A_514] : memref<640x64xf32, #tpu.memory_space<vmem>> -> memref<128x64xf32, #tpu.memory_space<vmem>>
        %dma_wait3A_516 = arith.constant 0 : i32
        %dma_wait3A_517 = tpu.memref_slice %arg5[%add3A_486, %dma_wait3A_516] : memref<200x128xi32, #tpu.memory_space<vmem>> -> memref<1x128xi32, #tpu.memory_space<vmem>>
        %dma_wait3A_518 = tpu.memref_squeeze %dma_wait3A_517 : memref<1x128xi32, #tpu.memory_space<vmem>> -> memref<128xi32, #tpu.memory_space<vmem>>
        %dma_wait3A_519 = arith.constant 0 : i32
        %dma_wait3A_520 = arith.constant 0 : i32
        %dma_wait3A_521 = tpu.memref_slice %arg2[%dma_wait3A_519, %dma_wait3A_520] : memref<1000000x64xf32, #tpu.memory_space<hbm>> -> memref<1000000x64xf32, #tpu.memory_space<hbm>>
        tpu.wait_indirect_dma semaphore(%arg9 : memref<!tpu.dma_semaphore, #tpu.memory_space<semaphore_mem>>) src(%dma_wait3A_521 : memref<1000000x64xf32, #tpu.memory_space<hbm>>) dst(%dma_wait3A_515 : memref<128x64xf32, #tpu.memory_space<vmem>>)
        %dma_wait3A_522 = arith.constant 384 : i32
        %dma_wait3A_523 = arith.constant 0 : i32
        %dma_wait3A_524 = tpu.memref_slice %arg7[%dma_wait3A_522, %dma_wait3A_523] : memref<640x64xf32, #tpu.memory_space<vmem>> -> memref<128x64xf32, #tpu.memory_space<vmem>>
        %dma_wait3A_525 = arith.constant 0 : i32
        %dma_wait3A_526 = tpu.memref_slice %arg5[%add3A_490, %dma_wait3A_525] : memref<200x128xi32, #tpu.memory_space<vmem>> -> memref<1x128xi32, #tpu.memory_space<vmem>>
        %dma_wait3A_527 = tpu.memref_squeeze %dma_wait3A_526 : memref<1x128xi32, #tpu.memory_space<vmem>> -> memref<128xi32, #tpu.memory_space<vmem>>
        %dma_wait3A_528 = arith.constant 0 : i32
        %dma_wait3A_529 = arith.constant 0 : i32
        %dma_wait3A_530 = tpu.memref_slice %arg2[%dma_wait3A_528, %dma_wait3A_529] : memref<1000000x64xf32, #tpu.memory_space<hbm>> -> memref<1000000x64xf32, #tpu.memory_space<hbm>>
        tpu.wait_indirect_dma semaphore(%arg9 : memref<!tpu.dma_semaphore, #tpu.memory_space<semaphore_mem>>) src(%dma_wait3A_530 : memref<1000000x64xf32, #tpu.memory_space<hbm>>) dst(%dma_wait3A_524 : memref<128x64xf32, #tpu.memory_space<vmem>>)
        %dma_wait3A_531 = arith.constant 512 : i32
        %dma_wait3A_532 = arith.constant 0 : i32
        %dma_wait3A_533 = tpu.memref_slice %arg7[%dma_wait3A_531, %dma_wait3A_532] : memref<640x64xf32, #tpu.memory_space<vmem>> -> memref<128x64xf32, #tpu.memory_space<vmem>>
        %dma_wait3A_534 = arith.constant 0 : i32
        %dma_wait3A_535 = tpu.memref_slice %arg5[%add3A_494, %dma_wait3A_534] : memref<200x128xi32, #tpu.memory_space<vmem>> -> memref<1x128xi32, #tpu.memory_space<vmem>>
        %dma_wait3A_536 = tpu.memref_squeeze %dma_wait3A_535 : memref<1x128xi32, #tpu.memory_space<vmem>> -> memref<128xi32, #tpu.memory_space<vmem>>
        %dma_wait3A_537 = arith.constant 0 : i32
        %dma_wait3A_538 = arith.constant 0 : i32
        %dma_wait3A_539 = tpu.memref_slice %arg2[%dma_wait3A_537, %dma_wait3A_538] : memref<1000000x64xf32, #tpu.memory_space<hbm>> -> memref<1000000x64xf32, #tpu.memory_space<hbm>>
        tpu.wait_indirect_dma semaphore(%arg9 : memref<!tpu.dma_semaphore, #tpu.memory_space<semaphore_mem>>) src(%dma_wait3A_539 : memref<1000000x64xf32, #tpu.memory_space<hbm>>) dst(%dma_wait3A_533 : memref<128x64xf32, #tpu.memory_space<vmem>>)
        %mul3A_540 = arith.constant 640 : i32
        %mul3A_541 = arith.muli %add3A_474, %mul3A_540 : i32
        %add3A_542 = arith.addi %mul3A_2, %mul3A_541 : i32
        %dma_start3A_543 = arith.constant 0 : i32
        %dma_start3A_544 = tpu.memref_slice %arg4[%add3A_542, %dma_start3A_543] : memref<819200x128xf32, #tpu.memory_space<hbm>> -> memref<640x64xf32, #tpu.memory_space<hbm>>
        %dma_start3A_545 = arith.constant 0 : i32
        %dma_start3A_546 = tpu.memref_slice %arg4[%add3A_542, %dma_start3A_545] : memref<819200x128xf32, #tpu.memory_space<hbm>> -> memref<640x64xf32, #tpu.memory_space<hbm>>
        tpu.enqueue_dma source(%arg7 : memref<640x64xf32, #tpu.memory_space<vmem>>) target(%dma_start3A_546 : memref<640x64xf32, #tpu.memory_space<hbm>>) target_semaphore(%arg11 : memref<!tpu.dma_semaphore, #tpu.memory_space<semaphore_mem>>)
      } else {
      }
    }
    %scan3A_298 = arith.constant 19 : i32
    %add3A_299 = arith.constant 24320 : i32
    %add3A_300 = arith.addi %mul3A_2, %add3A_299 : i32
    %dma_wait3A_301 = arith.constant 0 : i32
    %dma_wait3A_302 = tpu.memref_slice %arg4[%add3A_300, %dma_wait3A_301] : memref<819200x128xf32, #tpu.memory_space<hbm>> -> memref<640x64xf32, #tpu.memory_space<hbm>>
    %dma_wait3A_303 = arith.constant 0 : i32
    %dma_wait3A_304 = tpu.memref_slice %arg4[%add3A_300, %dma_wait3A_303] : memref<819200x128xf32, #tpu.memory_space<hbm>> -> memref<640x64xf32, #tpu.memory_space<hbm>>
    tpu.wait_dma2 semaphore(%arg10 : memref<!tpu.dma_semaphore, #tpu.memory_space<semaphore_mem>>) src(%arg6 : memref<640x64xf32, #tpu.memory_space<vmem>>) dst(%dma_wait3A_304 : memref<640x64xf32, #tpu.memory_space<hbm>>)
    %add3A_305 = arith.constant 24960 : i32
    %add3A_306 = arith.addi %mul3A_2, %add3A_305 : i32
    %dma_wait3A_307 = arith.constant 0 : i32
    %dma_wait3A_308 = tpu.memref_slice %arg4[%add3A_306, %dma_wait3A_307] : memref<819200x128xf32, #tpu.memory_space<hbm>> -> memref<640x64xf32, #tpu.memory_space<hbm>>
    %dma_wait3A_309 = arith.constant 0 : i32
    %dma_wait3A_310 = tpu.memref_slice %arg4[%add3A_306, %dma_wait3A_309] : memref<819200x128xf32, #tpu.memory_space<hbm>> -> memref<640x64xf32, #tpu.memory_space<hbm>>
    tpu.wait_dma2 semaphore(%arg11 : memref<!tpu.dma_semaphore, #tpu.memory_space<semaphore_mem>>) src(%arg7 : memref<640x64xf32, #tpu.memory_space<vmem>>) dst(%dma_wait3A_310 : memref<640x64xf32, #tpu.memory_space<hbm>>)
    return
  }
}

</mosaic_0001>

<sc_bundles>
// kernel: kernel.3.cloned.1.call-start
scs
__scs_entry_jumppad:
0x0: {  	(pc) =	sbr.rel $0x88, $3  }
0x1: {  	(tag) =	ssettag $0x0;
	lr =	simm.s32 $0x1  }
0x2: {  	[smem:$0x3F9F] =	sst lr;
	_ =	strace $0xD0000000  }
0x3: {  	_ = 	snop  }
0x4: {  	_ = 	snop  }
0x5: {  	_ = 	snop  }
0x6: {  	_ = 	snop  }
0x7: {  	_ = 	snop  }
__scs_overlays_trampoline_lowered:
0x8: {  	[smem:$0x3FAE] =	sst s0  }
0x9: {  	[smem:$0x3FAF] =	sst s1  }
0xa: {  	[smem:$0x3FB0] =	sst s2  }
0xb: {  	[smem:$0x3FB1] =	sst s3  }
0xc: {  	[smem:$0x3FB2] =	sst s4  }
0xd: {  	[smem:$0x3FB3] =	sst s5  }
0xe: {  	[smem:$0x3FB4] =	sst s6  }
0xf: {  	[smem:$0x3FB5] =	sst s7  }
0x10: {  	[smem:$0x3FB6] =	sst s8  }
0x11: {  	[smem:$0x3FB7] =	sst s9;
	s0 =	simm.s32 @!p0 $0x0  }
0x12: {  	s1 =	sld [smem:$0x3F9D];
	s0 =	simm.s32 @p0 $0x1  }
0x13: {  	[smem:$0x3FB8] =	sst s0;
	s0 =	simm.s32 @!p1 $0x0  }
0x14: {  	s2 =	sld [smem:$0x3F9C];
	s0 =	simm.s32 @p1 $0x1  }
0x15: {  	[smem:$0x3FB9] =	sst s0;
	s0 =	simm.s32 @!p2 $0x0  }
0x16: {  	s3 =	sld [smem:$0x3FDB];
	s0 =	simm.s32 @p2 $0x1  }
0x17: {  	s4 =	simm.s32 $0x1BF5;
	[smem:$0x3FBB] =	sst s0  }
0x18: {  	s0 =	sld [smem:$0x3F9E];
	_ =	swait.ge [sflag:s4], $0x0  }
0x19: {  	s7 =	sld [smem:$0x3F9F]  }
0x1a: {  	s8 =	sadd.s32 $0xFFFFE003, lr  }
0x1b: {  	s9 =	sadd.s32 $0xFFFFFEF7, lr;
	s5 =	simm.s32 $0xFFFFFFFF;
	p2 =	slt.u32 s8, $0xFFFFF086  }
0x1c: {  	p1 =	slt.u32 s9, $0xF7A;
	s5 =	simm.s32 @!p2 $0x0  }
0x1d: {  	s5 =	simm.s32 @p1 $0x1;
	p0 =	seq.s32 s7, s2  }
0x1e: {  	s7 =	smul.u32 @!p0 $0xF7A, s2;
	p2 =	seq.s32 @!p0 s5, $0x0  }
0x1f: {  	s9 =	smul.u32 $0xF7A, s1;
	s8 =	simm.s32 @!p0 $0x1BF5;
	p2 =	por !p2, p0  }
0x20: {  	[sflag:s8] =	ssyncset.s32 @!p0 $0xFFFFF086;
	s6 =	sadd.s32 @!p0 s3, s7;
	s7 =	simm.s32 @!p0 $0x108  }
0x21: {  	s3 =	sadd.s32 s3, s9;
	s6 =	sadd.s32 @!p0 $0x88, s6;
	s7 =	simm.s32 @p2 $0x1082  }
0x22: {  	[simem:s7], [sflag:s8] =	dma.local @!p0 [hbm:s6], $0xF7A  }
0x23: {  	s9 =	sor.u32 $0xD0000000, s2;
	s6 =	simm.s32 $0x108;
	_ =	swait.ge @!p0 [sflag:s8], $0x0  }
0x24: {  	s3 =	sadd.s32 $0x88, s3;
	s6 =	simm.s32 @!p1 $0x1082;
	[sflag:s4] =	ssyncset.s32 $0xFFFFF086  }
0x25: {  	[simem:s6], [sflag:s4] =	dma.local [hbm:s3], $0xF7A  }
0x26: {  	[smem:$0x3F9F] =	sst s1;
	(tag) =	ssettag s2;
	_ =	strace s9  }
0x27: {  	s1 =	sld [smem:$0x3FAF]  }
0x28: {  	s2 =	sld [smem:$0x3FB0]  }
0x29: {  	s4 =	sld [smem:$0x3FB2]  }
0x2a: {  	p0 =	seq.s32 s5, $0x0;
	s5 =	sld [smem:$0x3FB3]  }
0x2b: {  	s6 =	sld [smem:$0x3FB4]  }
0x2c: {  	s7 =	sld [smem:$0x3FB5]  }
0x2d: {  	s3 =	simm.s32 $0x108;
	s8 =	sld [smem:$0x3FB6]  }
0x2e: {  	s3 =	simm.s32 @!p0 $0x1082;
	s9 =	sld [smem:$0x3FB7]  }
0x2f: {  	lr =	sadd.s32 s0, s3;
	s0 =	sld [smem:$0x3FAE]  }
0x30: {  	s3 =	sld [smem:$0x3FB1]  }
0x31: {  	[smem:$0x3FBA] =	sst s10  }
0x32: {  	s10 =	sld [smem:$0x3FB8];
	_ =	sdelay $0x3  }
0x33: {  	p0 =	seq.s32 s10, $0x1;
	s10 =	sld [smem:$0x3FBA];
	_ =	sdelay $0x3  }
0x34: {  	[smem:$0x3FBA] =	sst s10  }
0x35: {  	s10 =	sld [smem:$0x3FB9];
	_ =	sdelay $0x3  }
0x36: {  	p1 =	seq.s32 s10, $0x1;
	s10 =	sld [smem:$0x3FBA];
	_ =	sdelay $0x3  }
0x37: {  	[smem:$0x3FBA] =	sst s10  }
0x38: {  	s10 =	sld [smem:$0x3FBB]  }
0x39: {  	_ = 	snop;
	(pc) =	sbr.ind lr, $3  }
0x3a: {  	_ = 	snop  }
0x3b: {  	_ = 	snop  }
0x3c: {  	p2 =	seq.s32 s10, $0x1;
	s10 =	sld [smem:$0x3FBA]  }
0x3d: {  	_ =	shalt  }
0x3e: {  	_ =	shalt  }
0x3f: {  	_ =	shalt  }
0x40: {  	_ =	shalt  }
0x41: {  	_ =	shalt  }
0x42: {  	_ =	shalt  }
0x43: {  	_ =	shalt  }
0x44: {  	_ =	shalt  }
0x45: {  	_ =	shalt  }
0x46: {  	_ =	shalt  }
0x47: {  	_ =	shalt  }
0x48: {  	_ =	shalt  }
0x49: {  	_ =	shalt  }
0x4a: {  	_ =	shalt  }
0x4b: {  	_ =	shalt  }
0x4c: {  	_ =	shalt  }
0x4d: {  	_ =	shalt  }
0x4e: {  	_ =	shalt  }
0x4f: {  	_ =	shalt  }
0x50: {  	_ =	shalt  }
0x51: {  	_ =	shalt  }
0x52: {  	_ =	shalt  }
0x53: {  	_ =	shalt  }
0x54: {  	_ =	shalt  }
0x55: {  	_ =	shalt  }
0x56: {  	_ =	shalt  }
0x57: {  	_ =	shalt  }
0x58: {  	_ =	shalt  }
0x59: {  	_ =	shalt  }
0x5a: {  	_ =	shalt  }
0x5b: {  	_ =	shalt  }
0x5c: {  	_ =	shalt  }
0x5d: {  	_ =	shalt  }
0x5e: {  	_ =	shalt  }
0x5f: {  	_ =	shalt  }
0x60: {  	_ =	shalt  }
0x61: {  	_ =	shalt  }
0x62: {  	_ =	shalt  }
0x63: {  	_ =	shalt  }
0x64: {  	_ =	shalt  }
0x65: {  	_ =	shalt  }
0x66: {  	_ =	shalt  }
0x67: {  	_ =	shalt  }
0x68: {  	_ =	shalt  }
0x69: {  	_ =	shalt  }
0x6a: {  	_ =	shalt  }
0x6b: {  	_ =	shalt  }
0x6c: {  	_ =	shalt  }
0x6d: {  	_ =	shalt  }
0x6e: {  	_ =	shalt  }
0x6f: {  	_ =	shalt  }
0x70: {  	_ =	shalt  }
0x71: {  	_ =	shalt  }
0x72: {  	_ =	shalt  }
0x73: {  	_ =	shalt  }
0x74: {  	_ =	shalt  }
0x75: {  	_ =	shalt  }
0x76: {  	_ =	shalt  }
0x77: {  	_ =	shalt  }
0x78: {  	_ =	shalt  }
0x79: {  	_ =	shalt  }
0x7a: {  	_ =	shalt  }
0x7b: {  	_ =	shalt  }
0x7c: {  	_ =	shalt  }
0x7d: {  	_ =	shalt  }
0x7e: {  	_ =	shalt  }
0x7f: {  	_ =	shalt  }
0x80: {  	_ =	shalt  }
0x81: {  	_ =	shalt  }
0x82: {  	_ =	shalt  }
0x83: {  	_ =	shalt  }
0x84: {  	_ =	shalt  }
0x85: {  	_ =	shalt  }
0x86: {  	_ =	shalt  }
0x87: {  	_ =	shalt  }
.Lfunc_end0:
.L_simem_size_0:
called_computation.1_lowered:
.L_overlay_start_0:
0x88: {  	s2 =	sld [smem:$0x3FD9]  }
0x89: {  	s3 =	sld [smem:$0x3FFE];
	_ =	sdelay $0x1  }
0x8a: {  	s1 =	srdreg.scid  }
0x8b: {  	s0 =	sand.u32 $0x1, s1  }
0x8c: {  	s17 =	sshll.u32 s0, $0xA;
	s2 =	sadd.s32 s3, s2  }
0x8d: {  	s2 =	sadd.s32 s2, s17  }
0x8e: {  	[smem:$0x3FC6] =	sst s2  }
0x8f: {  	_ = 	snop  }
0x90: {  	s2 =	sld [smem:$0x3FD0];
	(tm) =	ssettm $0x1  }
0x91: {  	s18 =	sld [smem:$0x3FFB];
	_ =	sdelay $0x3  }
0x92: {  	_ =	strace s18  }
0x93: {  	s3 =	sld [smem:$0x3FFC];
	_ =	sdelay $0x3  }
0x94: {  	_ =	strace s3  }
0x95: {  	s3 =	sld [smem:$0x3FFD];
	_ =	sdelay $0x3  }
0x96: {  	_ =	strace s3  }
0x97: {  	_ =	strace $0x8FFFFFFF  }
0x98: {  	s19 =	sld [smem:$0x3FDB];
	_ =	sdelay $0x1  }
0x99: {  	s4 =	simm.s32 $_scs_section_size  }
0x9a: {  	s5 =	simm.s32 $_size__tile_overlayer_lowered;
	s6 =	simm.s32 $_tile_overlayer_lowered  }
0x9b: {  	s22 =	simm.s32 $0x1BFF;
	s21 =	sshll.u32 s6, $0x1;
	s3 =	sadd.s32 s4, s19  }
0x9c: {  	s7 =	simm.s32 $0x0;
	s20 =	sshll.u32 s5, $0x1;
	s5 =	sadd.s32 s21, s3  }
0x9d: {  	[timem:s7], [sflag:s22] =	dma.local [hbm:s5], s20  }
0x9e: {  	_ =	swait.ge [sflag:s22], s20  }
0x9f: {  	s4 =	ssub.s32 $0x0, s20;
	[sflag:s22] =	ssyncset.done $0x0  }
0xa0: {  	[sflag:s22] =	ssyncadd.s32 s4;
	_ =	sdelay $0x1  }
0xa1: {  	s23 =	simm.s32 $0x1B8B  }
0xa2: {  	_ =	swait.ge [sflag:s23], $0x1  }
0xa3: {  	[sflag:s23] =	ssyncset.done $0x0  }
0xa4: {  	s25 =	simm.s32 $0x1B8E;
	s24 =	sld [smem:$0x3FFE];
	[sflag:s23] =	ssyncadd.s32 $0xFFFFFFFF  }
0xa5: {  	s26 =	simm.s32 $execute0_lowered;
	[smem:$0x3FD2] =	sst s25  }
0xa6: {  	s5 =	sshll.u32 s26, $0x1;
	_ =	strace $0x80000046;
	[dreg:$0x1] =	wrdreg $0xFFFFFFFF  }
0xa7: {  	s28 =	simm.s32 $_size_execute0_lowered;
	s3 =	sadd.s32 s3, s5;
	[dreg:$0x0] =	wrdreg $0x0  }
0xa8: {  	s5 =	sshll.u32 s28, $0x1;
	[dreg:$0x2] =	wrdreg s3  }
0xa9: {  	[dreg:$0x3] =	wrdreg s5  }
0xaa: {  	[dreg:$0x4] =	wrdreg $0xC0  }
0xab: {  	_ =	task [dreg:s7], $0x5FFFF  }
0xac: {  	[dreg:$0x1] =	wrdreg $0xFFFFFFFF  }
0xad: {  	[dreg:$0x0] =	wrdreg $0x60  }
0xae: {  	[dreg:$0x2] =	wrdreg s24  }
0xaf: {  	[dreg:$0x3] =	wrdreg s2  }
0xb0: {  	[dreg:$0x4] =	wrdreg $0x9  }
0xb1: {  	_ =	task.clear_ibuf [dreg:s7], $0x5FFFF;
	_ =	strace $0x90000046  }
0xb2: {  	s29 =	simm.s32 $0x9;
	_ =	strace $0x80000048  }
0xb3: {  	_ =	swait.ge [sflag:s29], $0x1  }
0xb4: {  	[sflag:s29] =	ssyncadd.s32 $0xFFFFFFFF  }
0xb5: {  	_ =	strace $0x90000048  }
0xb6: {  	_ =	sfence  }
0xb7: {  	s30 =	sld [smem:$0x0];
	_ =	sdelay $0x2  }
0xb8: {  	s31 =	sshll.u32 s1, $0xD;
	s1 =	sshrl.u32 s1, $0x2  }
0xb9: {  	s3 =	sand.u32 $0x4000, s31;
	s1 =	sadd.s32 s1, s30  }
0xba: {  	s0 =	sor.u32 s3, s0;
	s1 =	sshll.u32 s1, $0x11  }
0xbb: {  	s0 =	sor.u32 s1, s0  }
0xbc: {  	s0 =	sadd.s32 $0x8F2B, s0  }
0xbd: {  	[sflag:s0] =	ssyncadd.remote.s32 $0x1  }
0xbe: {  	_ =	sfence.sel $0xFFFF  }
0xbf: {  	[dreg:$0x0] =	wrdreg $0xFFFFFFFF;
	(pc) =	sbr.abs _section_cstart, $3  }
0xc0: {  	[dreg:$0x1] =	wrdreg $0xFFFFFFFF  }
0xc1: {  	_ =	task.clear_ibuf [dreg:s7], $0x2FFFF;
	_ =	strace $0x9FFFFFFF  }
0xc2: {  	(tm) =	ssettm $0x7FFFFFFF  }
0xc3: {  	_ =	shalt  }
tec
execute0_lowered:
.L_overlay_start_1:
0x0: {  	(tag) =	ssettag $0x1  }
0x1: {  	s0 =	rddreg [dreg:$0x0];
	s1 =	srdreg.scid  }
0x2: {  	s11 =	stileid.u32;
	s4 =	rddreg [dreg:$0x1];
	s2 =	simm.s32 $0x0  }
0x3: {  	s12 =	simm.s32 $0x6;
	s14 =	simm.s32 $0x80;
	s15 =	simm.s32 $0x6400  }
0x4: {  	s16 =	simm.s32 $0x8400;
	s18 =	simm.s32 $0xA400;
	s20 =	simm.s32 $0xC400  }
0x5: {  	s22 =	simm.s32 $0xE400;
	s24 =	simm.s32 $0x10400;
	s29 =	simm.s32 $0x14400  }
0x6: {  	s31 =	simm.s32 $0x16400;
	s13 =	simm.s32 $0x1;
	s17 =	simm.s32 $0x5  }
0x7: {  	s1 =	sand.u32 $0x1, s1;
	s3 =	sshll.u32 s11, $0x1;
	s11 =	smul.u32 $0xC800, s11  }
0x8: {  	s5 =	sor.u32 s1, s3;
	s8 =	ssub.s32 $0x2, s1;
	s1 =	smul.u32 $0x6400, s1  }
0x9: {  	s19 =	simm.s32 $0x3;
	[smem:$0x7FF] =	sst s2;
	s6 =	smul.u32 $0x6400, s5  }
0xa: {  	s21 =	simm.s32 $0x4;
	_ =	strace $0x80000047;
	s7 =	smul.u32 $0xC80, s5  }
0xb: {  	s23 =	simm.s32 $0x0;
	s3 =	sadd.s32 $0xF42E00, s0;
	s9 =	smul.u32 $0x320000, s5  }
0xc: {  	s0 =	sadd.s32 $0xA00, s0;
	s10 =	sshrl.u32 s8, $0x1;
	s26 =	smul.u32 $0x64000, s5  }
0xd: {  	s8 =	ssub.s32 s8, s10;
	s1 =	sadd.s32 s1, s11;
	s6 =	sshrl.u32 s6, $0x3  }
0xe: {  	s7 =	sadd.s32 s4, s7;
	s30 =	sshrl.u32 s9, $0x3;
	s1 =	sshll.u32 s1, $0x4  }
0xf: {  	s9 =	smax.u32 s8, $0x1;
	s8 =	simm.s32 $0x40;
	[dreg:$0x3] =	wrdreg s7  }
.Ltmp0:
0x10: {  	s4 =	sadd.s32 s4, s6;
	s6 =	sadd.s32 s0, s26;
	(pc) =	sbr.rel .LBB2_1-.Ltmp0, $4  }
0x11: {  	s26 =	simm.s32 $0x12400;
	s4 =	sadd.s32 $0xF0, s4;
	s7 =	sadd.s32 $0x2800, s6  }
0x12: {  	[dreg:$0x4] =	wrdreg s4;
	s4 =	sadd.s32 s0, s30;
	s0 =	sadd.s32 s0, s1  }
0x13: {  	s1 =	simm.s32 $0x2;
	s4 =	sadd.s32 $0x61800, s4;
	s28 =	sadd.s32 $0x7800, s0  }
0x14: {  	s25 =	sadd.s32 $0x5000, s0;
	s0 =	simm.s32 $0x18400;
	[dreg:$0x5] =	wrdreg s4  }
.LBB2_3:
0x15: {  	_ =	swait.ge [sflag:s1], $0x2000  }
0x16: {  	[sflag:s1] =	ssyncset.done $0x0  }
0x17: {  	[sflag:s1] =	ssyncadd.s32 $0xFFFFE000  }
0x18: {  	_ =	swait.ge [sflag:s1], $0x2000  }
0x19: {  	[sflag:s1] =	ssyncset.done $0x0  }
0x1a: {  	[sflag:s1] =	ssyncadd.s32 $0xFFFFE000  }
0x1b: {  	_ =	swait.ge [sflag:s1], $0x2000  }
0x1c: {  	[sflag:s1] =	ssyncset.done $0x0  }
0x1d: {  	[sflag:s1] =	ssyncadd.s32 $0xFFFFE000  }
0x1e: {  	_ =	swait.ge [sflag:s1], $0x2000  }
0x1f: {  	[sflag:s1] =	ssyncset.done $0x0  }
0x20: {  	[sflag:s1] =	ssyncadd.s32 $0xFFFFE000  }
0x21: {  	_ =	swait.ge [sflag:s1], $0x2000  }
0x22: {  	[sflag:s1] =	ssyncset.done $0x0  }
0x23: {  	s4 =	rddreg [dreg:$0x5];
	[sflag:s1] =	ssyncadd.s32 $0xFFFFE000  }
0x24: {  	[hbm4b:s4+s8] =	stream.strided.scatter [tilespmem:s24], [sflag:$0x4], $0xA000, s14, s8, $0x38;
	[tilespmem:$0x1A400] =	vst v63  }
.LBB2_5:
0x25: {  	s23 =	sadd.s32 $0x1, s23  }
0x26: {  	_ =	swait.ge [sflag:s19], $0xA000;
	p0 =	sne.s32 s23, s9  }
.Ltmp1:
0x27: {  	[sflag:s19] =	ssyncset.done $0x0;
	(pc) =	sbr.rel @!p0 .LBB2_6-.Ltmp1, $4  }
0x28: {  	[sflag:s19] =	ssyncadd.s32 $0xFFFF6000  }
0x29: {  	_ =	swait.ge [sflag:s21], $0xA000  }
0x2a: {  	[sflag:s21] =	ssyncset.done $0x0  }
0x2b: {  	[sflag:s21] =	ssyncadd.s32 $0xFFFF6000  }
.LBB2_1:
0x2c: {  	s4 =	rddreg [dreg:$0x3]  }
0x2d: {  	[tilespmem:s2], [sflag:$0x6] =	stream.linear.gather [hbm4b:s4+s2], $0x780, $0x38;
	[tilespmem:$0x1A400] =	vst v63  }
0x2e: {  	_ =	swait.ge [sflag:s12], $0x780  }
0x2f: {  	[sflag:s12] =	ssyncset.done $0x0  }
0x30: {  	s5 =	simm.s32 $0x780;
	s10 =	rddreg [dreg:$0x4];
	[sflag:s12] =	ssyncadd.s32 $0xFFFFF880  }
0x31: {  	[tilespmem:s5], [sflag:$0x5] =	stream.linear.gather [hbm4b:s10+s2], $0x5C80, $0x38;
	[tilespmem:$0x1A400] =	vst v63  }
0x32: {  	_ = 	snop  }
0x33: {  	[tilespmem:s15], [sflag:$0x1] =	stream.indirect.gather [hbm4b:s3+s14], $0x40, s2, s14, $0xb8;
	[tilespmem:$0x1A400] =	vst v63  }
0x34: {  	_ = 	snop  }
0x35: {  	[tilespmem:s16], [sflag:$0x1] =	stream.indirect.gather [hbm4b:s3+s14], $0x40, s14, s14, $0xb8;
	[tilespmem:$0x1A400] =	vst v63  }
0x36: {  	s11 =	simm.s32 $0x100  }
0x37: {  	[tilespmem:s18], [sflag:$0x1] =	stream.indirect.gather [hbm4b:s3+s14], $0x40, s11, s14, $0xb8;
	[tilespmem:$0x1A400] =	vst v63  }
0x38: {  	s5 =	simm.s32 $0x180  }
0x39: {  	[tilespmem:s20], [sflag:$0x1] =	stream.indirect.gather [hbm4b:s3+s14], $0x40, s5, s14, $0xb8;
	[tilespmem:$0x1A400] =	vst v63  }
0x3a: {  	s10 =	simm.s32 $0x200  }
0x3b: {  	[tilespmem:s22], [sflag:$0x1] =	stream.indirect.gather [hbm4b:s3+s14], $0x40, s10, s14, $0xb8;
	[tilespmem:$0x1A400] =	vst v63  }
0x3c: {  	s11 =	simm.s32 $0x280  }
0x3d: {  	[tilespmem:s24], [sflag:$0x2] =	stream.indirect.gather [hbm4b:s3+s14], $0x40, s11, s14, $0xb8;
	[tilespmem:$0x1A400] =	vst v63  }
0x3e: {  	s5 =	simm.s32 $0x300  }
0x3f: {  	[tilespmem:s26], [sflag:$0x2] =	stream.indirect.gather [hbm4b:s3+s14], $0x40, s5, s14, $0xb8;
	[tilespmem:$0x1A400] =	vst v63  }
0x40: {  	s10 =	simm.s32 $0x380  }
0x41: {  	[tilespmem:s29], [sflag:$0x2] =	stream.indirect.gather [hbm4b:s3+s14], $0x40, s10, s14, $0xb8;
	[tilespmem:$0x1A400] =	vst v63  }
0x42: {  	s11 =	simm.s32 $0x400  }
0x43: {  	[tilespmem:s31], [sflag:$0x2] =	stream.indirect.gather [hbm4b:s3+s14], $0x40, s11, s14, $0xb8;
	[tilespmem:$0x1A400] =	vst v63  }
0x44: {  	s5 =	simm.s32 $0x480  }
0x45: {  	[tilespmem:s0], [sflag:$0x2] =	stream.indirect.gather [hbm4b:s3+s14], $0x40, s5, s14, $0xb8;
	[tilespmem:$0x1A400] =	vst v63  }
0x46: {  	_ =	swait.ge [sflag:s13], $0x2000  }
0x47: {  	[sflag:s13] =	ssyncset.done $0x0  }
0x48: {  	[sflag:s13] =	ssyncadd.s32 $0xFFFFE000  }
0x49: {  	_ =	swait.ge [sflag:s13], $0x2000  }
0x4a: {  	[sflag:s13] =	ssyncset.done $0x0  }
0x4b: {  	[sflag:s13] =	ssyncadd.s32 $0xFFFFE000  }
0x4c: {  	_ =	swait.ge [sflag:s13], $0x2000  }
0x4d: {  	[sflag:s13] =	ssyncset.done $0x0  }
0x4e: {  	[sflag:s13] =	ssyncadd.s32 $0xFFFFE000  }
0x4f: {  	_ =	swait.ge [sflag:s13], $0x2000  }
0x50: {  	[sflag:s13] =	ssyncset.done $0x0  }
0x51: {  	[sflag:s13] =	ssyncadd.s32 $0xFFFFE000  }
0x52: {  	_ =	swait.ge [sflag:s13], $0x2000  }
0x53: {  	[sflag:s13] =	ssyncset.done $0x0  }
0x54: {  	[sflag:s13] =	ssyncadd.s32 $0xFFFFE000  }
0x55: {  	[hbm4b:s6+s8] =	stream.strided.scatter [tilespmem:s15], [sflag:$0x3], $0xA000, s14, s8, $0x38;
	[tilespmem:$0x1A400] =	vst v63  }
0x56: {  	_ =	swait.ge [sflag:s17], $0x5C80  }
0x57: {  	[sflag:s17] =	ssyncset.done $0x0  }
0x58: {  	[sflag:s17] =	ssyncadd.s32 $0xFFFFA380  }
0x59: {  	_ =	swait.ge [sflag:s19], $0xA000  }
0x5a: {  	[sflag:s19] =	ssyncset.done $0x0  }
0x5b: {  	s10 =	simm.s32 $0x500;
	[sflag:s19] =	ssyncadd.s32 $0xFFFF6000  }
0x5c: {  	[tilespmem:s15], [sflag:$0x1] =	stream.indirect.gather [hbm4b:s3+s14], $0x40, s10, s14, $0xb8;
	[tilespmem:$0x1A400] =	vst v63  }
0x5d: {  	s11 =	simm.s32 $0x580  }
0x5e: {  	[tilespmem:s16], [sflag:$0x1] =	stream.indirect.gather [hbm4b:s3+s14], $0x40, s11, s14, $0xb8;
	[tilespmem:$0x1A400] =	vst v63  }
0x5f: {  	s5 =	simm.s32 $0x600  }
0x60: {  	[tilespmem:s18], [sflag:$0x1] =	stream.indirect.gather [hbm4b:s3+s14], $0x40, s5, s14, $0xb8;
	[tilespmem:$0x1A400] =	vst v63  }
0x61: {  	s10 =	simm.s32 $0x680  }
0x62: {  	[tilespmem:s20], [sflag:$0x1] =	stream.indirect.gather [hbm4b:s3+s14], $0x40, s10, s14, $0xb8;
	[tilespmem:$0x1A400] =	vst v63  }
0x63: {  	s11 =	simm.s32 $0x700  }
0x64: {  	[tilespmem:s22], [sflag:$0x1] =	stream.indirect.gather [hbm4b:s3+s14], $0x40, s11, s14, $0xb8;
	[tilespmem:$0x1A400] =	vst v63  }
0x65: {  	_ =	swait.ge [sflag:s1], $0x2000  }
0x66: {  	[sflag:s1] =	ssyncset.done $0x0  }
0x67: {  	[sflag:s1] =	ssyncadd.s32 $0xFFFFE000  }
0x68: {  	_ =	swait.ge [sflag:s1], $0x2000  }
0x69: {  	[sflag:s1] =	ssyncset.done $0x0  }
0x6a: {  	[sflag:s1] =	ssyncadd.s32 $0xFFFFE000  }
0x6b: {  	_ =	swait.ge [sflag:s1], $0x2000  }
0x6c: {  	[sflag:s1] =	ssyncset.done $0x0  }
0x6d: {  	[sflag:s1] =	ssyncadd.s32 $0xFFFFE000  }
0x6e: {  	_ =	swait.ge [sflag:s1], $0x2000  }
0x6f: {  	[sflag:s1] =	ssyncset.done $0x0  }
0x70: {  	[sflag:s1] =	ssyncadd.s32 $0xFFFFE000  }
0x71: {  	_ =	swait.ge [sflag:s1], $0x2000  }
0x72: {  	s30 =	simm.s32 $0x0;
	[sflag:s1] =	ssyncset.done $0x0  }
0x73: {  	s10 =	smov.u32 s28;
	s11 =	smov.u32 s25;
	[sflag:s1] =	ssyncadd.s32 $0xFFFFE000  }
0x74: {  	[hbm4b:s7+s8] =	stream.strided.scatter [tilespmem:s24], [sflag:$0x4], $0xA000, s14, s8, $0x38;
	[tilespmem:$0x1A400] =	vst v63  }
.LBB2_2:
0x75: {  	_ =	swait.ge [sflag:s21], $0xA000  }
0x76: {  	s4 =	sshra.s32 s30, $0x2;
	[sflag:s21] =	ssyncset.done $0x0  }
0x77: {  	s5 =	sadd.s32 $0x780, s4;
	[sflag:s21] =	ssyncadd.s32 $0xFFFF6000  }
0x78: {  	[tilespmem:s24], [sflag:$0x2] =	stream.indirect.gather [hbm4b:s3+s14], $0x40, s5, s14, $0xb8;
	[tilespmem:$0x1A400] =	vst v63  }
0x79: {  	s5 =	sadd.s32 $0x800, s4  }
0x7a: {  	[tilespmem:s26], [sflag:$0x2] =	stream.indirect.gather [hbm4b:s3+s14], $0x40, s5, s14, $0xb8;
	[tilespmem:$0x1A400] =	vst v63  }
0x7b: {  	s5 =	sadd.s32 $0x880, s4  }
0x7c: {  	[tilespmem:s29], [sflag:$0x2] =	stream.indirect.gather [hbm4b:s3+s14], $0x40, s5, s14, $0xb8;
	[tilespmem:$0x1A400] =	vst v63  }
0x7d: {  	s5 =	sadd.s32 $0x900, s4  }
0x7e: {  	[tilespmem:s31], [sflag:$0x2] =	stream.indirect.gather [hbm4b:s3+s14], $0x40, s5, s14, $0xb8;
	[tilespmem:$0x1A400] =	vst v63  }
0x7f: {  	s5 =	sadd.s32 $0x980, s4  }
0x80: {  	[tilespmem:s0], [sflag:$0x2] =	stream.indirect.gather [hbm4b:s3+s14], $0x40, s5, s14, $0xb8;
	[tilespmem:$0x1A400] =	vst v63  }
0x81: {  	_ =	swait.ge [sflag:s13], $0x2000  }
0x82: {  	[sflag:s13] =	ssyncset.done $0x0  }
0x83: {  	[sflag:s13] =	ssyncadd.s32 $0xFFFFE000  }
0x84: {  	_ =	swait.ge [sflag:s13], $0x2000  }
0x85: {  	[sflag:s13] =	ssyncset.done $0x0  }
0x86: {  	[sflag:s13] =	ssyncadd.s32 $0xFFFFE000  }
0x87: {  	_ =	swait.ge [sflag:s13], $0x2000  }
0x88: {  	[sflag:s13] =	ssyncset.done $0x0  }
0x89: {  	[sflag:s13] =	ssyncadd.s32 $0xFFFFE000  }
0x8a: {  	_ =	swait.ge [sflag:s13], $0x2000  }
0x8b: {  	p0 =	sne.s32 s30, $0x16800;
	[sflag:s13] =	ssyncset.done $0x0  }
.Ltmp2:
0x8c: {  	[sflag:s13] =	ssyncadd.s32 $0xFFFFE000;
	(pc) =	sbr.rel @!p0 .LBB2_3-.Ltmp2, $4  }
0x8d: {  	_ =	swait.ge [sflag:s13], $0x2000  }
0x8e: {  	[sflag:s13] =	ssyncset.done $0x0  }
0x8f: {  	[sflag:s13] =	ssyncadd.s32 $0xFFFFE000  }
0x90: {  	[hbm4b:s11+s8] =	stream.strided.scatter [tilespmem:s15], [sflag:$0x3], $0xA000, s14, s8, $0x38;
	[tilespmem:$0x1A400] =	vst v63  }
0x91: {  	_ =	swait.ge [sflag:s19], $0xA000  }
0x92: {  	[sflag:s19] =	ssyncset.done $0x0  }
0x93: {  	s5 =	sadd.s32 $0xA00, s4;
	[sflag:s19] =	ssyncadd.s32 $0xFFFF6000  }
0x94: {  	[tilespmem:s15], [sflag:$0x1] =	stream.indirect.gather [hbm4b:s3+s14], $0x40, s5, s14, $0xb8;
	[tilespmem:$0x1A400] =	vst v63  }
0x95: {  	s5 =	sadd.s32 $0xA80, s4  }
0x96: {  	[tilespmem:s16], [sflag:$0x1] =	stream.indirect.gather [hbm4b:s3+s14], $0x40, s5, s14, $0xb8;
	[tilespmem:$0x1A400] =	vst v63  }
0x97: {  	s5 =	sadd.s32 $0xB00, s4  }
0x98: {  	[tilespmem:s18], [sflag:$0x1] =	stream.indirect.gather [hbm4b:s3+s14], $0x40, s5, s14, $0xb8;
	[tilespmem:$0x1A400] =	vst v63  }
0x99: {  	s5 =	sadd.s32 $0xB80, s4  }
0x9a: {  	[tilespmem:s20], [sflag:$0x1] =	stream.indirect.gather [hbm4b:s3+s14], $0x40, s5, s14, $0xb8;
	[tilespmem:$0x1A400] =	vst v63  }
0x9b: {  	s5 =	sadd.s32 $0xC00, s4  }
0x9c: {  	[tilespmem:s22], [sflag:$0x1] =	stream.indirect.gather [hbm4b:s3+s14], $0x40, s5, s14, $0xb8;
	[tilespmem:$0x1A400] =	vst v63  }
0x9d: {  	_ =	swait.ge [sflag:s1], $0x2000  }
0x9e: {  	[sflag:s1] =	ssyncset.done $0x0  }
0x9f: {  	[sflag:s1] =	ssyncadd.s32 $0xFFFFE000  }
0xa0: {  	_ =	swait.ge [sflag:s1], $0x2000  }
0xa1: {  	[sflag:s1] =	ssyncset.done $0x0  }
0xa2: {  	[sflag:s1] =	ssyncadd.s32 $0xFFFFE000  }
0xa3: {  	_ =	swait.ge [sflag:s1], $0x2000  }
0xa4: {  	[sflag:s1] =	ssyncset.done $0x0  }
0xa5: {  	[sflag:s1] =	ssyncadd.s32 $0xFFFFE000  }
0xa6: {  	_ =	swait.ge [sflag:s1], $0x2000  }
0xa7: {  	s30 =	sadd.s32 $0x1400, s30;
	[sflag:s1] =	ssyncset.done $0x0  }
0xa8: {  	p0 =	sne.s32 s30, $0x17C00;
	[sflag:s1] =	ssyncadd.s32 $0xFFFFE000  }
.Ltmp3:
0xa9: {  	_ =	swait.ge [sflag:s1], $0x2000;
	(pc) =	sbr.rel @p0 .LBB2_2-.Ltmp3, $4  }
.Ltmp4:
0xaa: {  	[sflag:s1] =	ssyncset.done $0x0;
	(pc) =	sbr.rel @!p0 .LBB2_5-.Ltmp4, $4  }
0xab: {  	[sflag:s1] =	ssyncadd.s32 $0xFFFFE000  }
0xac: {  	[hbm4b:s10+s8] =	stream.strided.scatter [tilespmem:s24], [sflag:$0x4], $0xA000, s14, s8, $0x38;
	[tilespmem:$0x1A400] =	vst v63  }
0xad: {  	s11 =	sadd.s32 $0x5000, s11;
	s10 =	sadd.s32 $0x5000, s10  }
0xae: {  	_ = 	snop  }
.LBB2_6:
0xaf: {  	_ =	sfence.sel $0x180000  }
0xb0: {  	[bflag:$0x0] =	sbarrier.arrive $0xFFFF  }
0xb1: {  	_ =	strace $0x90000047  }
0xb2: {  	s0 =	stileid.u32;
	[bflag:$0x2] =	sbarrier.arrive $0xFFFF  }
0xb3: {  	p0 =	sne.s32 s0, $0x0;
	s0 =	rddreg [dreg:$0x2]  }
0xb4: {  	s0 =	sadd.s32 @!p0 $0x100000, s0  }
0xb5: {  	[sflag:s0] =	ssyncadd.tile.s32 @!p0 $0x1;
	_ =	shalt  }
.Lfunc_end2:
_tile_overlayer_lowered:
.L_overlay_start_2:
0xb6: {  	(tag) =	ssettag $0x2  }
0xb7: {  	s0 =	rddreg [dreg:$0x0];
	s2 =	stileid.u32  }
0xb8: {  	s1 =	rddreg [dreg:$0x1];
	p0 =	sne.s32 s2, $0x0  }
0xb9: {  	s3 =	rddreg [dreg:$0x2];
	[bflag:$0x3] =	sbarrier.arrive $0xFFFF;
	s2 =	simm.s32 @!p0 $0x1C06  }
0xba: {  	[timem:s3], [sflag:s2] =	dma.local @!p0 [hbm:s0], s1  }
0xbb: {  	s0 =	simm.s32 @!p0 $0x6  }
0xbc: {  	_ =	swait.ge @!p0 [sflag:s0], s1  }
0xbd: {  	s1 =	ssub.s32 @!p0 $0x0, s1;
	[sflag:s0] =	ssyncset.done @!p0 $0x0  }
0xbe: {  	[sflag:s0] =	ssyncadd.s32 @!p0 s1  }
0xbf: {  	[bflag:$0x3] =	sbarrier.arrive $0xFFFF  }
0xc0: {  	_ =	shalt  }

// kernel: sparse-core-data-format-call.cloned.1.call-start
scs
called_computation_lowered:
.L_overlay_start_0:
0x0: {  	s2 =	sld [smem:$0x3FD9]  }
0x1: {  	s3 =	sld [smem:$0x3FFE];
	_ =	sdelay $0x1  }
0x2: {  	s1 =	srdreg.scid  }
0x3: {  	s0 =	sand.u32 $0x1, s1  }
0x4: {  	s18 =	sshll.u32 s0, $0xA;
	s2 =	sadd.s32 s3, s2  }
0x5: {  	s2 =	sadd.s32 s2, s18  }
0x6: {  	[smem:$0x3FC6] =	sst s2  }
0x7: {  	_ = 	snop  }
0x8: {  	s2 =	sld [smem:$0x3FD0];
	(tm) =	ssettm $0x1  }
0x9: {  	s19 =	sld [smem:$0x3FFB];
	_ =	sdelay $0x3  }
0xa: {  	_ =	strace s19  }
0xb: {  	s3 =	sld [smem:$0x3FFC];
	_ =	sdelay $0x3  }
0xc: {  	_ =	strace s3  }
0xd: {  	s3 =	sld [smem:$0x3FFD];
	_ =	sdelay $0x3  }
0xe: {  	_ =	strace s3  }
0xf: {  	_ =	strace $0x8FFFFFFF  }
0x10: {  	s20 =	sld [smem:$0x3FDB];
	_ =	sdelay $0x1  }
0x11: {  	s4 =	simm.s32 $_scs_section_size  }
0x12: {  	s5 =	simm.s32 $_size__tile_overlayer_lowered;
	s6 =	simm.s32 $_tile_overlayer_lowered  }
0x13: {  	s23 =	simm.s32 $0x1BFF;
	s22 =	sshll.u32 s6, $0x1;
	s3 =	sadd.s32 s4, s20  }
0x14: {  	s7 =	simm.s32 $0x0;
	s21 =	sshll.u32 s5, $0x1;
	s5 =	sadd.s32 s22, s3  }
0x15: {  	[timem:s7], [sflag:s23] =	dma.local [hbm:s5], s21  }
0x16: {  	_ =	swait.ge [sflag:s23], s21  }
0x17: {  	s4 =	ssub.s32 $0x0, s21;
	[sflag:s23] =	ssyncset.done $0x0  }
0x18: {  	[sflag:s23] =	ssyncadd.s32 s4;
	_ =	sdelay $0x1  }
0x19: {  	s24 =	simm.s32 $0x1B8B  }
0x1a: {  	_ =	swait.ge [sflag:s24], $0x1  }
0x1b: {  	[sflag:s24] =	ssyncset.done $0x0  }
0x1c: {  	s26 =	simm.s32 $0x1B8E;
	s25 =	sld [smem:$0x3FFE];
	[sflag:s24] =	ssyncadd.s32 $0xFFFFFFFF  }
0x1d: {  	s27 =	simm.s32 $execute0_lowered;
	[smem:$0x3FD2] =	sst s26  }
0x1e: {  	s5 =	sshll.u32 s27, $0x1;
	_ =	strace $0x80000049;
	[dreg:$0x1] =	wrdreg $0xFFFFFFFF  }
0x1f: {  	s28 =	simm.s32 $_size_execute0_lowered;
	s3 =	sadd.s32 s3, s5;
	[dreg:$0x0] =	wrdreg $0x0  }
0x20: {  	s5 =	sshll.u32 s28, $0x1;
	[dreg:$0x2] =	wrdreg s3  }
0x21: {  	[dreg:$0x3] =	wrdreg s5  }
0x22: {  	[dreg:$0x4] =	wrdreg $0xC0  }
0x23: {  	_ =	task [dreg:s7], $0x5FFFF  }
0x24: {  	[dreg:$0x1] =	wrdreg $0xFFFFFFFF  }
0x25: {  	[dreg:$0x0] =	wrdreg $0x60  }
0x26: {  	[dreg:$0x2] =	wrdreg s25  }
0x27: {  	[dreg:$0x3] =	wrdreg s2  }
0x28: {  	[dreg:$0x4] =	wrdreg $0x9  }
0x29: {  	_ =	task.clear_ibuf [dreg:s7], $0x5FFFF;
	_ =	strace $0x90000049  }
0x2a: {  	s29 =	simm.s32 $0x9;
	_ =	strace $0x8000004B  }
0x2b: {  	_ =	swait.ge [sflag:s29], $0x1  }
0x2c: {  	[sflag:s29] =	ssyncadd.s32 $0xFFFFFFFF  }
0x2d: {  	_ =	strace $0x9000004B  }
0x2e: {  	_ =	sfence  }
0x2f: {  	s30 =	sld [smem:$0x0];
	_ =	sdelay $0x2  }
0x30: {  	s31 =	sshll.u32 s1, $0xD;
	s1 =	sshrl.u32 s1, $0x2  }
0x31: {  	s3 =	sand.u32 $0x4000, s31;
	s1 =	sadd.s32 s1, s30  }
0x32: {  	s0 =	sor.u32 s3, s0;
	s1 =	sshll.u32 s1, $0x11  }
0x33: {  	s0 =	sor.u32 s1, s0  }
0x34: {  	s0 =	sadd.s32 $0x8F2B, s0  }
0x35: {  	[sflag:s0] =	ssyncadd.remote.s32 $0x1  }
0x36: {  	_ =	sfence.sel $0xFFFF  }
0x37: {  	[dreg:$0x0] =	wrdreg $0xFFFFFFFF;
	(pc) =	sbr.abs _section_cstart, $3  }
0x38: {  	[dreg:$0x1] =	wrdreg $0xFFFFFFFF  }
0x39: {  	_ =	task.clear_ibuf [dreg:s7], $0x2FFFF;
	_ =	strace $0x9FFFFFFF  }
0x3a: {  	(tm) =	ssettm $0x7FFFFFFF  }
0x3b: {  	_ =	shalt  }
tec
execute0_lowered:
.L_overlay_start_1:
0x0: {  	(tag) =	ssettag $0x1  }
0x1: {  	s0 =	srdreg.scid  }
0x2: {  	s1 =	sshll.u32 s0, $0x4  }
0x3: {  	s0 =	stileid.u32;
	s1 =	sand.u32 $0x10, s1  }
0x4: {  	s1 =	sor.u32 s0, s1  }
0x5: {  	s6 =	rddreg [dreg:$0x0];
	s4 =	simm.s32 $0x1;
	s2 =	sshll.u32 s1, $0x7  }
0x6: {  	s7 =	simm.s32 $0x2;
	s12 =	simm.s32 $0x0;
	s1 =	ssub.s32 $0x1000, s2  }
0x7: {  	s8 =	simm.s32 $0x8000;
	s13 =	simm.s32 $0x0;
	s3 =	sand.u32 $0xF80, s1  }
0x8: {  	s9 =	simm.s32 $0x0;
	s5 =	sshrl.u32 s1, $0xC;
	p0 =	sne.s32 s3, $0x0  }
.Ltmp0:
0x9: {  	s1 =	rddreg [dreg:$0x2];
	s4 =	simm.s32 @!p0 $0x0;
	(pc) =	sbr.rel .LBB1_1-.Ltmp0, $4  }
0xa: {  	s11 =	simm.s32 $0x0;
	s3 =	rddreg [dreg:$0x1];
	s5 =	sadd.s32 s4, s5  }
0xb: {  	_ =	strace $0x8000004A;
	s4 =	simm.s32 $0x1;
	s5 =	smul.u32 $0xC8, s5  }
0xc: {  	s6 =	sadd.s32 $0xA00, s6;
	s10 =	smov.u32 s2;
	[sflag:s4] =	ssyncpa.u1 $0x0  }
0xd: {  	p0 =	por $0x0, $0x0;
	[sflag:s7] =	ssyncpa.u1 $0x0;
	s7 =	sor.u32 $0x1, s5  }
.LBB1_4:
0xe: {  	s16 =	sshll.u32 s13, $0x3;
	s17 =	sand.u32 $0x78, s13  }
0xf: {  	s30 =	sand.u32 $0x7E00, s13;
	s12 =	sshll.u32 s12, $0xF;
	s16 =	sand.u32 $0xC00, s16  }
0x10: {  	[tilespmem:s15+$0x810 ss:$0x81] =	vst.msk $0xffff, v2;
	s31 =	sand.u32 $0x7, s13;
	s16 =	sor.u32 s17, s16;
	s17 =	sadd.s32 s3, s30  }
0x11: {  	[tilespmem:s15+$0x1020 ss:$0x81] =	vst.msk $0xffff, v0;
	s13 =	sshll.u32 s31, $0x12;
	s12 =	sadd.s32 s12, s17;
	s16 =	sshrl.u32 s16, $0x3  }
0x12: {  	[tilespmem:s15+$0x0 ss:$0x81] =	vst.msk $0xffff, v1;
	s13 =	sor.u32 $0x400, s13;
	s12 =	sadd.s32 s16, s12  }
0x13: {  	[hbm4b:s12+s13] =	stream.strided.scatter [tilespmem:s14], [sflag:$0x2], $0x2000, s8, s13, $0x20;
	[tilespmem:$0x8080] =	vst v63  }
.LBB1_5:
0x14: {  	s14 =	sadd.s32 $0x1, s9  }
0x15: {  	s12 =	sadd.s32 $0x1000, s10;
	s16 =	smov.u32 s10;
	p2 =	sgt.s32 s14, $0xC7  }
0x16: {  	s16 =	smov.u32 @p2 s12  }
0x17: {  	s14 =	simm.s32 @p2 $0x0;
	p2 =	sgt.s32 s16, $0xFFF  }
0x18: {  	s16 =	smov.u32 @p2 s2;
	p2 =	sne.s32 s11, s7  }
.Ltmp1:
0x19: {  	p1 =	slt.u32 s11, $0x2;
	(pc) =	sbr.rel @!p2 .LBB1_6-.Ltmp1, $4  }
0x1a: {  	s15 =	simm.s32 @!p1 $0x2  }
0x1b: {  	s13 =	smov.u32 s10;
	p0 =	por !p0, !p0;
	_ =	swait.ge @!p1 [sflag:s15], $0x2000  }
0x1c: {  	s12 =	smov.u32 s9;
	[sflag:s15] =	ssyncset.done @!p1 $0x0;
	s9 =	smov.u32 s14  }
0x1d: {  	s11 =	sadd.s32 $0x1, s11;
	[sflag:s15] =	ssyncadd.s32 @!p1 $0xFFFFE000;
	s10 =	smov.u32 s16  }
.LBB1_1:
0x1e: {  	p1 =	sge.u32 s11, s5  }
0x1f: {  	s14 =	sand.u32 @!p1 $0x1FFFFFF, s9  }
0x20: {  	s15 =	smulhi.u32 @!p1 $0x147AE15, s14;
	_ =	sdelay $0x1  }
0x21: {  	s15 =	smul.u32 @!p1 $0xC8, s15  }
0x22: {  	s16 =	sxor.u32 @!p1 $0xFFFFFFFF, s11;
	s17 =	smul.u32 @!p1 $0xC80, s10  }
0x23: {  	s31 =	sadd.s32 $0xFFFFFFFF, s11;
	s16 =	sshll.u32 @!p1 s16, $0xD;
	s14 =	ssub.s32 @!p1 s14, s15  }
0x24: {  	s15 =	sand.u32 @!p1 $0x2000, s16;
	s16 =	sadd.s32 @!p1 s6, s17;
	s14 =	sshll.u32 @!p1 s14, $0x4  }
0x25: {  	s17 =	simm.s32 @!p1 $0x6400;
	s14 =	sadd.s32 @!p1 s14, s16;
	s16 =	simm.s32 @!p1 $0x40  }
0x26: {  	[tilespmem:s15], [sflag:$0x1] =	stream.strided.gather @!p1 [hbm4b:s14+s16], $0x2000, s17, s16, $0x38;
	[tilespmem:$0x8080] =	vst v63  }
0x27: {  	p1 =	sge.u32 s31, s5  }
.Ltmp2:
0x28: {  	_ = 	snop;
	(pc) =	sbr.rel @p1 .LBB1_5-.Ltmp2, $1  }
0x29: {  	_ =	sdelay $0x3  }
0x2a: {  	s14 =	simm.s32 $0x1  }
0x2b: {  	_ =	swait.ge [sflag:s4], $0x2000;
	s14 =	simm.s32 @!p0 $0x0  }
0x2c: {  	[sflag:s4] =	ssyncset.done $0x0;
	s15 =	sshll.u32 s14, $0xD  }
0x2d: {  	[sflag:s4] =	ssyncadd.s32 $0xFFFFE000;
	s18 =	sor.u32 $0x20, s15  }
0x2e: {  	s14 =	smul.u32 $0x8100, s14;
	v3 =	vld [tilespmem:s18+$0x10]  }
0x2f: {  	s30 =	sand.u32 $0x1, s11;
	v2 =	vld [tilespmem:s18+$0xFFFFFFF0]  }
0x30: {  	s15 =	smul.u32 $0x8100, s30;
	s14 =	sshrl.u32 s14, $0x2;
	v0 =	vld [tilespmem:s18+$0x0]  }
0x31: {  	v1 =	vld [tilespmem:s18+$0xFFFFFFE0];
	s16 =	sor.u32 $0x4000, s14  }
0x32: {  	s31 =	sshrl.u32 s15, $0x2;
	s15 =	sadd.s32 $0x0, s16  }
0x33: {  	s17 =	simm.s32 $0x4;
	s18 =	sadd.s32 $0x40, s18;
	s14 =	sor.u32 $0x4000, s31;
	[tilespmem:s15+$0x1830 ss:$0x81] =	vst.msk $0xffff, v3  }
.LBB1_3:
0x34: {  	v3 =	vld [tilespmem:s18+$0x10];
	p1 =	sne.s32 s17, $0x1FC;
	[tilespmem:s15+$0x810 ss:$0x81] =	vst.msk $0xffff, v2;
	s19 =	smov.u32 s17;
	s17 =	sadd.s32 $0x4, s17  }
.Ltmp3:
0x35: {  	v2 =	vld [tilespmem:s18+$0xFFFFFFF0];
	[tilespmem:s15+$0x1020 ss:$0x81] =	vst.msk $0xffff, v0;
	(pc) =	sbr.rel @p1 .LBB1_3-.Ltmp3, $4  }
0x36: {  	v0 =	vld [tilespmem:s18+$0x0];
	[tilespmem:s15+$0x0 ss:$0x81] =	vst.msk $0xffff, v1  }
0x37: {  	s15 =	sshra.s32 s19, $0x2;
	v1 =	vld [tilespmem:s18+$0xFFFFFFE0]  }
0x38: {  	s15 =	sadd.s32 s15, s16  }
0x39: {  	s18 =	sadd.s32 $0x40, s18;
	[tilespmem:s15+$0x1830 ss:$0x81] =	vst.msk $0xffff, v3  }
.Ltmp4:
0x3a: {  	_ = 	snop;
	(pc) =	sbr.rel .LBB1_4-.Ltmp4, $1  }
0x3b: {  	_ =	sdelay $0x3  }
.LBB1_6:
0x3c: {  	_ =	sfence.sel $0x180000  }
0x3d: {  	s2 =	simm.s32 $0x1;
	[bflag:$0x0] =	sbarrier.arrive $0xFFFF  }
0x3e: {  	s31 =	simm.s32 $0x2;
	[sflag:s2] =	ssyncpa.u1 $0x1  }
0x3f: {  	[sflag:s31] =	ssyncpa.u1 $0x1  }
0x40: {  	p0 =	sne.s32 s0, $0x0;
	_ =	strace $0x9000004A  }
0x41: {  	s0 =	sadd.s32 @!p0 $0x100000, s1;
	[bflag:$0x2] =	sbarrier.arrive $0xFFFF  }
0x42: {  	[sflag:s0] =	ssyncadd.tile.s32 @!p0 $0x1;
	_ =	shalt  }
.Lfunc_end1:
_tile_overlayer_lowered:
.L_overlay_start_2:
0x43: {  	(tag) =	ssettag $0x2  }
0x44: {  	s0 =	rddreg [dreg:$0x0];
	s2 =	stileid.u32  }
0x45: {  	s1 =	rddreg [dreg:$0x1];
	p0 =	sne.s32 s2, $0x0  }
0x46: {  	s3 =	rddreg [dreg:$0x2];
	[bflag:$0x3] =	sbarrier.arrive $0xFFFF;
	s2 =	simm.s32 @!p0 $0x1C01  }
0x47: {  	[timem:s3], [sflag:s2] =	dma.local @!p0 [hbm:s0], s1  }
0x48: {  	s0 =	simm.s32 @!p0 $0x1  }
0x49: {  	_ =	swait.ge @!p0 [sflag:s0], s1  }
0x4a: {  	s1 =	ssub.s32 @!p0 $0x0, s1;
	[sflag:s0] =	ssyncset.done @!p0 $0x0  }
0x4b: {  	[sflag:s0] =	ssyncadd.s32 @!p0 s1  }
0x4c: {  	[bflag:$0x3] =	sbarrier.arrive $0xFFFF  }
0x4d: {  	_ =	shalt  }

</sc_bundles>
